<compile_context>
chip_gen: v7x
topology: tpu7x:2x2x1
jax: 0.10.2.dev20260603
libtpu: 0.0.44.dev20260713+nightly
codegen_flags: <defaults>
</compile_context>

<pallas_src>
import jax
import jax.numpy as jnp
from jax import lax
from jax.experimental import pallas as pl
from jax.experimental.pallas import tpu as pltpu
from jax.experimental.pallas import tpu_sc as plsc

D_MODEL = 64
SCALE = 8.0
LANES = 16
PADW = 128

NUM_CORES = 2
NUM_SUBCORES = 16
NUM_WORKERS = NUM_CORES * NUM_SUBCORES

SEQ = 200
BATCH = 4096
BW = BATCH // NUM_WORKERS
SBLK = 8
NBUF = 4
VB = 16384


def _pad_body(tt_ref, out_ref):
    out_ref[:, pl.ds(0, D_MODEL)] = tt_ref[...].T


def _emb_body(xt_hbm, padded_hbm, out_hbm, idx_v, rows, trans,
              gsems, wsems):
    wid = lax.axis_index("s") * NUM_CORES + lax.axis_index("c")
    b0 = wid * BW

    def stage(q, slot):
        pltpu.sync_copy(xt_hbm.at[pl.ds(q * SBLK, SBLK), pl.ds(b0, BW)],
                        idx_v.at[pl.ds(slot * SBLK, SBLK), :])

    def start_gather(c, b):
        row = (c // SBLK) % 2 * SBLK + c % SBLK
        pltpu.async_copy(padded_hbm.at[idx_v.at[row]], rows[b], gsems[b])

    stage(0, 0)
    for b in range(NBUF):
        start_gather(b, b)

    def process(c, b):
        @pl.when(jnp.logical_and(c % SBLK == 0, c // SBLK + 1 < SEQ // SBLK))
        def _():
            stage(c // SBLK + 1, (c // SBLK + 1) % 2)

        pltpu.make_async_copy(padded_hbm.at[idx_v.at[c]], rows[b],
                              gsems[b]).wait()

        @pl.when(c >= NBUF)
        def _():
            pltpu.make_async_copy(
                trans[b], out_hbm.at[c, :, pl.ds(b0, BW)], wsems[b]).wait()

        irow = (c // SBLK) % 2 * SBLK + c % SBLK

        def group(g, carry):
            idxvec = idx_v[irow, pl.ds(g * LANES, LANES)]
            svec = jnp.where(idxvec == 0, 0.0, SCALE).astype(jnp.float32)
            lanes = lax.iota(jnp.int32, LANES)
            rowvec = g * LANES + lanes

            @plsc.parallel_loop(0, D_MODEL, step=1, unroll=8)
            def _(k):
                dvec = (lanes + k) & (D_MODEL - 1)
                val = plsc.load_gather(rows[b], [rowvec, dvec])
                plsc.store_scatter(trans[b], [dvec, rowvec], val * svec)

            return carry

        lax.fori_loop(0, BW // LANES, group, 0)
        pltpu.async_copy(trans[b], out_hbm.at[c, :, pl.ds(b0, BW)], wsems[b])

        @pl.when(c + NBUF < SEQ)
        def _():
            start_gather(c + NBUF, b)

    def outer(g, carry):
        for b in range(NBUF):
            process(g * NBUF + b, b)
        return carry

    lax.fori_loop(0, SEQ // NBUF, outer, 0)
    for b in range(NBUF):
        c = SEQ - NBUF + b
        pltpu.make_async_copy(
            trans[b], out_hbm.at[c, :, pl.ds(b0, BW)], wsems[b]).wait()


def kernel(x, table):
    bsz, seq = x.shape
    vocab = table.shape[0]
    xt = x.T
    table_t = table.T

    padded = pl.pallas_call(
        _pad_body,
        grid=(pl.cdiv(vocab, VB),),
        in_specs=[pl.BlockSpec((D_MODEL, VB), lambda i: (0, i))],
        out_specs=pl.BlockSpec((VB, PADW), lambda i: (i, 0)),
        out_shape=jax.ShapeDtypeStruct((vocab, PADW), jnp.float32),
        compiler_params=pltpu.CompilerParams(
            dimension_semantics=("arbitrary",)),
    )(table_t)

    k = pl.kernel(
        _emb_body,
        out_type=jax.ShapeDtypeStruct((seq, D_MODEL, bsz), jnp.float32),
        mesh=plsc.VectorSubcoreMesh(
            core_axis_name="c", subcore_axis_name="s"),
        scratch_types=[
            pltpu.VMEM((2 * SBLK, BW), jnp.int32),
            [pltpu.VMEM((BW, PADW), jnp.float32) for _ in range(NBUF)],
            [pltpu.VMEM((D_MODEL, BW), jnp.float32) for _ in range(NBUF)],
            [pltpu.SemaphoreType.DMA for _ in range(NBUF)],
            [pltpu.SemaphoreType.DMA for _ in range(NBUF)],
        ],
        compiler_params=pltpu.CompilerParams(
            use_tc_tiling_on_sc=True, needs_layout_passes=False),
    )
    out_t = k(xt, padded)
    return jnp.transpose(out_t, (2, 0, 1))

# --- scband reference (transcript-rebuilt; emitter-appended) ---
"""Pipeline reference for scband-input-embedding-31817117729128 (READ-ONLY COPY).

The authoritative reference and input builder live on the scoring server;
editing this copy changes nothing except your own understanding.
"""

import math
import jax, jax.numpy as jnp
import numpy as np

VOCAB = 1000000
D_MODEL = 64

def setup_inputs(seed: int = 0) -> dict:
    key = jax.random.key(seed)
    k1, k2 = jax.random.split(key)
    x = jax.random.randint(k1, (4096, 200), 0, VOCAB, dtype=jnp.int32)
    table = jax.random.normal(k2, (VOCAB, D_MODEL), dtype=jnp.float32)
    return {"x": x, "table": table}

def reference(x, table):
    # nn.Embedding with padding_idx=0: row 0 is zeros
    t = table.at[0].set(0.0)
    out = jnp.take(t, x, axis=0)
    return out * math.pow(D_MODEL, 0.5)

if __name__ == "__main__":
    import jax
    _d = setup_inputs()
    print(jax.jit(kernel)(*tuple(_d.values())))

</pallas_src>

<mosaic_0001>
#map = affine_map<(d0, d1) -> (0, 0)>
#map1 = affine_map<(d0, d1) -> (0, 0, 0)>
module attributes {stable_mosaic.version = 14 : i64} {
  func.func @_emb_body(%arg0: i32, %arg1: i32, %arg2: memref<200x4096xi32, #tpu.memory_space<hbm>>, %arg3: memref<1000000x128xf32, #tpu.memory_space<hbm>>, %arg4: memref<200x64x4096xf32, #tpu.memory_space<hbm>>, %arg5: memref<16x128xi32, #tpu.memory_space<vmem>>, %arg6: memref<128x128xf32, #tpu.memory_space<vmem>>, %arg7: memref<128x128xf32, #tpu.memory_space<vmem>>, %arg8: memref<128x128xf32, #tpu.memory_space<vmem>>, %arg9: memref<128x128xf32, #tpu.memory_space<vmem>>, %arg10: memref<64x128xf32, #tpu.memory_space<vmem>>, %arg11: memref<64x128xf32, #tpu.memory_space<vmem>>, %arg12: memref<64x128xf32, #tpu.memory_space<vmem>>, %arg13: memref<64x128xf32, #tpu.memory_space<vmem>>, %arg14: memref<!tpu.dma_semaphore, #tpu.memory_space<semaphore_mem>>, %arg15: memref<!tpu.dma_semaphore, #tpu.memory_space<semaphore_mem>>, %arg16: memref<!tpu.dma_semaphore, #tpu.memory_space<semaphore_mem>>, %arg17: memref<!tpu.dma_semaphore, #tpu.memory_space<semaphore_mem>>, %arg18: memref<!tpu.dma_semaphore, #tpu.memory_space<semaphore_mem>>, %arg19: memref<!tpu.dma_semaphore, #tpu.memory_space<semaphore_mem>>, %arg20: memref<!tpu.dma_semaphore, #tpu.memory_space<semaphore_mem>>, %arg21: memref<!tpu.dma_semaphore, #tpu.memory_space<semaphore_mem>>) attributes {dimension_semantics = [#tpu.dimension_semantics<core_parallel>, #tpu.dimension_semantics<subcore_parallel>], iteration_bounds = array<i64: 2, 16>, scalar_prefetch = 0 : i64, scratch_operands = 17 : i64, tpu.core_type = #tpu.core_type<sc_vector_subcore>, window_params = [{transform_indices = #map}, {transform_indices = #map}, {transform_indices = #map1}]} {
    %mul3A = arith.constant 2 : i32
    %mul3A_0 = arith.muli %arg1, %mul3A : i32
    %add3A = arith.addi %mul3A_0, %arg0 : i32
    %mul3A_1 = arith.constant 128 : i32
    %mul3A_2 = arith.muli %add3A, %mul3A_1 : i32
    "tpu.region"() ({
      %run_scoped3A = tpu.sem_alloc : memref<!tpu.dma_semaphore, #tpu.memory_space<semaphore_mem>>
      %dma_start3A_62 = arith.constant 0 : i32
      %dma_start3A_63 = arith.constant 0 : i32
      %dma_start3A_64 = tpu.memref_slice %arg5[%dma_start3A_62, %dma_start3A_63] : memref<16x128xi32, #tpu.memory_space<vmem>> -> memref<8x128xi32, #tpu.memory_space<vmem>>
      %dma_start3A_65 = arith.constant 0 : i32
      %dma_start3A_66 = tpu.memref_slice %arg2[%dma_start3A_65, %mul3A_2] : memref<200x4096xi32, #tpu.memory_space<hbm>> -> memref<8x128xi32, #tpu.memory_space<hbm>>
      %dma_start3A_67 = arith.constant 0 : i32
      %dma_start3A_68 = arith.constant 0 : i32
      %dma_start3A_69 = tpu.memref_slice %arg5[%dma_start3A_67, %dma_start3A_68] : memref<16x128xi32, #tpu.memory_space<vmem>> -> memref<8x128xi32, #tpu.memory_space<vmem>>
      %dma_start3A_70 = arith.constant 0 : i32
      %dma_start3A_71 = tpu.memref_slice %arg2[%dma_start3A_70, %mul3A_2] : memref<200x4096xi32, #tpu.memory_space<hbm>> -> memref<8x128xi32, #tpu.memory_space<hbm>>
      tpu.enqueue_dma source(%dma_start3A_71 : memref<8x128xi32, #tpu.memory_space<hbm>>) target(%dma_start3A_69 : memref<8x128xi32, #tpu.memory_space<vmem>>) target_semaphore(%run_scoped3A : memref<!tpu.dma_semaphore, #tpu.memory_space<semaphore_mem>>)
      %dma_wait3A_72 = arith.constant 0 : i32
      %dma_wait3A_73 = arith.constant 0 : i32
      %dma_wait3A_74 = tpu.memref_slice %arg5[%dma_wait3A_72, %dma_wait3A_73] : memref<16x128xi32, #tpu.memory_space<vmem>> -> memref<8x128xi32, #tpu.memory_space<vmem>>
      %dma_wait3A_75 = arith.constant 0 : i32
      %dma_wait3A_76 = tpu.memref_slice %arg2[%dma_wait3A_75, %mul3A_2] : memref<200x4096xi32, #tpu.memory_space<hbm>> -> memref<8x128xi32, #tpu.memory_space<hbm>>
      %dma_wait3A_77 = arith.constant 0 : i32
      %dma_wait3A_78 = arith.constant 0 : i32
      %dma_wait3A_79 = tpu.memref_slice %arg5[%dma_wait3A_77, %dma_wait3A_78] : memref<16x128xi32, #tpu.memory_space<vmem>> -> memref<8x128xi32, #tpu.memory_space<vmem>>
      %dma_wait3A_80 = arith.constant 0 : i32
      %dma_wait3A_81 = tpu.memref_slice %arg2[%dma_wait3A_80, %mul3A_2] : memref<200x4096xi32, #tpu.memory_space<hbm>> -> memref<8x128xi32, #tpu.memory_space<hbm>>
      tpu.wait_dma2 semaphore(%run_scoped3A : memref<!tpu.dma_semaphore, #tpu.memory_space<semaphore_mem>>) src(%dma_wait3A_81 : memref<8x128xi32, #tpu.memory_space<hbm>>) dst(%dma_wait3A_79 : memref<8x128xi32, #tpu.memory_space<vmem>>)
      tpu.yield
    }) : () -> ()
    %dma_start3A = arith.constant 0 : i32
    %dma_start3A_3 = arith.constant 0 : i32
    %dma_start3A_4 = tpu.memref_slice %arg5[%dma_start3A, %dma_start3A_3] : memref<16x128xi32, #tpu.memory_space<vmem>> -> memref<1x128xi32, #tpu.memory_space<vmem>>
    %dma_start3A_5 = tpu.memref_squeeze %dma_start3A_4 : memref<1x128xi32, #tpu.memory_space<vmem>> -> memref<128xi32, #tpu.memory_space<vmem>>
    %dma_start3A_6 = arith.constant 0 : i32
    %dma_start3A_7 = arith.constant 0 : i32
    %dma_start3A_8 = tpu.memref_slice %arg3[%dma_start3A_6, %dma_start3A_7] : memref<1000000x128xf32, #tpu.memory_space<hbm>> -> memref<1000000x128xf32, #tpu.memory_space<hbm>>
    tpu.enqueue_indirect_dma source(%dma_start3A_8 : memref<1000000x128xf32, #tpu.memory_space<hbm>>) target(%arg6 : memref<128x128xf32, #tpu.memory_space<vmem>>) offsets(%dma_start3A_5 : memref<128xi32, #tpu.memory_space<vmem>>) semaphore(%arg14 : memref<!tpu.dma_semaphore, #tpu.memory_space<semaphore_mem>>)
    %dma_start3A_9 = arith.constant 1 : i32
    %dma_start3A_10 = arith.constant 0 : i32
    %dma_start3A_11 = tpu.memref_slice %arg5[%dma_start3A_9, %dma_start3A_10] : memref<16x128xi32, #tpu.memory_space<vmem>> -> memref<1x128xi32, #tpu.memory_space<vmem>>
    %dma_start3A_12 = tpu.memref_squeeze %dma_start3A_11 : memref<1x128xi32, #tpu.memory_space<vmem>> -> memref<128xi32, #tpu.memory_space<vmem>>
    %dma_start3A_13 = arith.constant 0 : i32
    %dma_start3A_14 = arith.constant 0 : i32
    %dma_start3A_15 = tpu.memref_slice %arg3[%dma_start3A_13, %dma_start3A_14] : memref<1000000x128xf32, #tpu.memory_space<hbm>> -> memref<1000000x128xf32, #tpu.memory_space<hbm>>
    tpu.enqueue_indirect_dma source(%dma_start3A_15 : memref<1000000x128xf32, #tpu.memory_space<hbm>>) target(%arg7 : memref<128x128xf32, #tpu.memory_space<vmem>>) offsets(%dma_start3A_12 : memref<128xi32, #tpu.memory_space<vmem>>) semaphore(%arg15 : memref<!tpu.dma_semaphore, #tpu.memory_space<semaphore_mem>>)
    %dma_start3A_16 = arith.constant 2 : i32
    %dma_start3A_17 = arith.constant 0 : i32
    %dma_start3A_18 = tpu.memref_slice %arg5[%dma_start3A_16, %dma_start3A_17] : memref<16x128xi32, #tpu.memory_space<vmem>> -> memref<1x128xi32, #tpu.memory_space<vmem>>
    %dma_start3A_19 = tpu.memref_squeeze %dma_start3A_18 : memref<1x128xi32, #tpu.memory_space<vmem>> -> memref<128xi32, #tpu.memory_space<vmem>>
    %dma_start3A_20 = arith.constant 0 : i32
    %dma_start3A_21 = arith.constant 0 : i32
    %dma_start3A_22 = tpu.memref_slice %arg3[%dma_start3A_20, %dma_start3A_21] : memref<1000000x128xf32, #tpu.memory_space<hbm>> -> memref<1000000x128xf32, #tpu.memory_space<hbm>>
    tpu.enqueue_indirect_dma source(%dma_start3A_22 : memref<1000000x128xf32, #tpu.memory_space<hbm>>) target(%arg8 : memref<128x128xf32, #tpu.memory_space<vmem>>) offsets(%dma_start3A_19 : memref<128xi32, #tpu.memory_space<vmem>>) semaphore(%arg16 : memref<!tpu.dma_semaphore, #tpu.memory_space<semaphore_mem>>)
    %dma_start3A_23 = arith.constant 3 : i32
    %dma_start3A_24 = arith.constant 0 : i32
    %dma_start3A_25 = tpu.memref_slice %arg5[%dma_start3A_23, %dma_start3A_24] : memref<16x128xi32, #tpu.memory_space<vmem>> -> memref<1x128xi32, #tpu.memory_space<vmem>>
    %dma_start3A_26 = tpu.memref_squeeze %dma_start3A_25 : memref<1x128xi32, #tpu.memory_space<vmem>> -> memref<128xi32, #tpu.memory_space<vmem>>
    %dma_start3A_27 = arith.constant 0 : i32
    %dma_start3A_28 = arith.constant 0 : i32
    %dma_start3A_29 = tpu.memref_slice %arg3[%dma_start3A_27, %dma_start3A_28] : memref<1000000x128xf32, #tpu.memory_space<hbm>> -> memref<1000000x128xf32, #tpu.memory_space<hbm>>
    tpu.enqueue_indirect_dma source(%dma_start3A_29 : memref<1000000x128xf32, #tpu.memory_space<hbm>>) target(%arg9 : memref<128x128xf32, #tpu.memory_space<vmem>>) offsets(%dma_start3A_26 : memref<128xi32, #tpu.memory_space<vmem>>) semaphore(%arg17 : memref<!tpu.dma_semaphore, #tpu.memory_space<semaphore_mem>>)
    %scan3A = arith.constant 0 : i32
    %scan3A_30 = arith.constant 0 : i32
    %scan3A_31 = arith.constant 50 : i32
    %scan3A_32 = arith.addi %scan3A_30, %scan3A_31 : i32
    %scan3A_33 = arith.constant 1 : i32
    scf.for %scan3A_62 = %scan3A_30 to %scan3A_32 step %scan3A_33  : i32 {
      %mul3A_63 = arith.constant 4 : i32
      %mul3A_64 = arith.muli %scan3A_62, %mul3A_63 : i32
      %add3A_65 = arith.constant 0 : i32
      %add3A_66 = arith.addi %mul3A_64, %add3A_65 : i32
      %jit3A = arith.constant 8 : i32
      %eq3A = arith.constant 0 : i32
      %eq3A_67 = arith.cmpi eq, %jit3A, %eq3A : i32
      %jit3A_68 = arith.constant 1 : i32
      %select_n3A = arith.select %eq3A_67, %jit3A_68, %jit3A : i32
      %rem3A = arith.remsi %add3A_66, %select_n3A : i32
      %ne3A = arith.constant 0 : i32
      %ne3A_69 = arith.cmpi ne, %rem3A, %ne3A : i32
      %lt3A = arith.constant 0 : i32
      %lt3A_70 = arith.cmpi slt, %rem3A, %lt3A : i32
      %lt3A_71 = arith.constant 0 : i32
      %lt3A_72 = arith.cmpi slt, %select_n3A, %lt3A_71 : i32
      %ne3A_73 = arith.xori %lt3A_70, %lt3A_72 : i1
      %and3A = arith.andi %ne3A_73, %ne3A_69 : i1
      %add3A_74 = arith.addi %rem3A, %select_n3A : i32
      %select_n3A_75 = arith.select %and3A, %add3A_74, %rem3A : i32
      %eq3A_76 = arith.constant 0 : i32
      %eq3A_77 = arith.cmpi eq, %select_n3A_75, %eq3A_76 : i32
      %jit3A_78 = arith.constant 8 : i32
      %div3A = arith.divsi %add3A_66, %jit3A_78 : i32
      %sign3A = arith.constant 0 : i32
      %sign3A_79 = arith.cmpi sgt, %add3A_66, %sign3A : i32
      %sign3A_80 = arith.extui %sign3A_79 : i1 to i32
      %sign3A_81 = arith.constant 0 : i32
      %sign3A_82 = arith.cmpi slt, %add3A_66, %sign3A_81 : i32
      %sign3A_83 = arith.extui %sign3A_82 : i1 to i32
      %sign3A_84 = arith.subi %sign3A_80, %sign3A_83 : i32
      %sign3A_85 = arith.constant 0 : i32
      %sign3A_86 = arith.cmpi sgt, %jit3A_78, %sign3A_85 : i32
      %sign3A_87 = arith.extui %sign3A_86 : i1 to i32
      %sign3A_88 = arith.constant 0 : i32
      %sign3A_89 = arith.cmpi slt, %jit3A_78, %sign3A_88 : i32
      %sign3A_90 = arith.extui %sign3A_89 : i1 to i32
      %sign3A_91 = arith.subi %sign3A_87, %sign3A_90 : i32
      %ne3A_92 = arith.cmpi ne, %sign3A_84, %sign3A_91 : i32
      %rem3A_93 = arith.remsi %add3A_66, %jit3A_78 : i32
      %ne3A_94 = arith.constant 0 : i32
      %ne3A_95 = arith.cmpi ne, %rem3A_93, %ne3A_94 : i32
      %and3A_96 = arith.andi %ne3A_92, %ne3A_95 : i1
      %sub3A = arith.constant 1 : i32
      %sub3A_97 = arith.subi %div3A, %sub3A : i32
      %select_n3A_98 = arith.select %and3A_96, %sub3A_97, %div3A : i32
      %add3A_99 = arith.constant 1 : i32
      %add3A_100 = arith.addi %select_n3A_98, %add3A_99 : i32
      %lt3A_101 = arith.constant 25 : i32
      %lt3A_102 = arith.cmpi slt, %add3A_100, %lt3A_101 : i32
      %and3A_103 = arith.andi %eq3A_77, %lt3A_102 : i1
      %convert_element_type3A = arith.extui %and3A_103 : i1 to i32
      %cond3A = arith.constant 0 : i32
      %cond3A_104 = arith.cmpi ne, %convert_element_type3A, %cond3A : i32
      scf.if %cond3A_104 {
        %jit3A_622 = arith.constant 8 : i32
        %div3A_623 = arith.divsi %add3A_66, %jit3A_622 : i32
        %sign3A_624 = arith.constant 0 : i32
        %sign3A_625 = arith.cmpi sgt, %add3A_66, %sign3A_624 : i32
        %sign3A_626 = arith.extui %sign3A_625 : i1 to i32
        %sign3A_627 = arith.constant 0 : i32
        %sign3A_628 = arith.cmpi slt, %add3A_66, %sign3A_627 : i32
        %sign3A_629 = arith.extui %sign3A_628 : i1 to i32
        %sign3A_630 = arith.subi %sign3A_626, %sign3A_629 : i32
        %sign3A_631 = arith.constant 0 : i32
        %sign3A_632 = arith.cmpi sgt, %jit3A_622, %sign3A_631 : i32
        %sign3A_633 = arith.extui %sign3A_632 : i1 to i32
        %sign3A_634 = arith.constant 0 : i32
        %sign3A_635 = arith.cmpi slt, %jit3A_622, %sign3A_634 : i32
        %sign3A_636 = arith.extui %sign3A_635 : i1 to i32
        %sign3A_637 = arith.subi %sign3A_633, %sign3A_636 : i32
        %ne3A_638 = arith.cmpi ne, %sign3A_630, %sign3A_637 : i32
        %rem3A_639 = arith.remsi %add3A_66, %jit3A_622 : i32
        %ne3A_640 = arith.constant 0 : i32
        %ne3A_641 = arith.cmpi ne, %rem3A_639, %ne3A_640 : i32
        %and3A_642 = arith.andi %ne3A_638, %ne3A_641 : i1
        %sub3A_643 = arith.constant 1 : i32
        %sub3A_644 = arith.subi %div3A_623, %sub3A_643 : i32
        %select_n3A_645 = arith.select %and3A_642, %sub3A_644, %div3A_623 : i32
        %add3A_646 = arith.constant 1 : i32
        %add3A_647 = arith.addi %select_n3A_645, %add3A_646 : i32
        %jit3A_648 = arith.constant 8 : i32
        %div3A_649 = arith.divsi %add3A_66, %jit3A_648 : i32
        %sign3A_650 = arith.constant 0 : i32
        %sign3A_651 = arith.cmpi sgt, %add3A_66, %sign3A_650 : i32
        %sign3A_652 = arith.extui %sign3A_651 : i1 to i32
        %sign3A_653 = arith.constant 0 : i32
        %sign3A_654 = arith.cmpi slt, %add3A_66, %sign3A_653 : i32
        %sign3A_655 = arith.extui %sign3A_654 : i1 to i32
        %sign3A_656 = arith.subi %sign3A_652, %sign3A_655 : i32
        %sign3A_657 = arith.constant 0 : i32
        %sign3A_658 = arith.cmpi sgt, %jit3A_648, %sign3A_657 : i32
        %sign3A_659 = arith.extui %sign3A_658 : i1 to i32
        %sign3A_660 = arith.constant 0 : i32
        %sign3A_661 = arith.cmpi slt, %jit3A_648, %sign3A_660 : i32
        %sign3A_662 = arith.extui %sign3A_661 : i1 to i32
        %sign3A_663 = arith.subi %sign3A_659, %sign3A_662 : i32
        %ne3A_664 = arith.cmpi ne, %sign3A_656, %sign3A_663 : i32
        %rem3A_665 = arith.remsi %add3A_66, %jit3A_648 : i32
        %ne3A_666 = arith.constant 0 : i32
        %ne3A_667 = arith.cmpi ne, %rem3A_665, %ne3A_666 : i32
        %and3A_668 = arith.andi %ne3A_664, %ne3A_667 : i1
        %sub3A_669 = arith.constant 1 : i32
        %sub3A_670 = arith.subi %div3A_649, %sub3A_669 : i32
        %select_n3A_671 = arith.select %and3A_668, %sub3A_670, %div3A_649 : i32
        %add3A_672 = arith.constant 1 : i32
        %add3A_673 = arith.addi %select_n3A_671, %add3A_672 : i32
        %jit3A_674 = arith.constant 2 : i32
        %eq3A_675 = arith.constant 0 : i32
        %eq3A_676 = arith.cmpi eq, %jit3A_674, %eq3A_675 : i32
        %jit3A_677 = arith.constant 1 : i32
        %select_n3A_678 = arith.select %eq3A_676, %jit3A_677, %jit3A_674 : i32
        %rem3A_679 = arith.remsi %add3A_673, %select_n3A_678 : i32
        %ne3A_680 = arith.constant 0 : i32
        %ne3A_681 = arith.cmpi ne, %rem3A_679, %ne3A_680 : i32
        %lt3A_682 = arith.constant 0 : i32
        %lt3A_683 = arith.cmpi slt, %rem3A_679, %lt3A_682 : i32
        %lt3A_684 = arith.constant 0 : i32
        %lt3A_685 = arith.cmpi slt, %select_n3A_678, %lt3A_684 : i32
        %ne3A_686 = arith.xori %lt3A_683, %lt3A_685 : i1
        %and3A_687 = arith.andi %ne3A_686, %ne3A_681 : i1
        %add3A_688 = arith.addi %rem3A_679, %select_n3A_678 : i32
        %select_n3A_689 = arith.select %and3A_687, %add3A_688, %rem3A_679 : i32
        %mul3A_690 = arith.constant 8 : i32
        %mul3A_691 = arith.muli %add3A_647, %mul3A_690 : i32
        %mul3A_692 = arith.constant 8 : i32
        %mul3A_693 = arith.muli %select_n3A_689, %mul3A_692 : i32
        "tpu.region"() ({
          %run_scoped3A = tpu.sem_alloc : memref<!tpu.dma_semaphore, #tpu.memory_space<semaphore_mem>>
          %dma_start3A_694 = arith.constant 0 : i32
          %dma_start3A_695 = tpu.memref_slice %arg5[%mul3A_693, %dma_start3A_694] : memref<16x128xi32, #tpu.memory_space<vmem>> -> memref<8x128xi32, #tpu.memory_space<vmem>>
          %dma_start3A_696 = tpu.memref_slice %arg2[%mul3A_691, %mul3A_2] : memref<200x4096xi32, #tpu.memory_space<hbm>> -> memref<8x128xi32, #tpu.memory_space<hbm>>
          %dma_start3A_697 = arith.constant 0 : i32
          %dma_start3A_698 = tpu.memref_slice %arg5[%mul3A_693, %dma_start3A_697] : memref<16x128xi32, #tpu.memory_space<vmem>> -> memref<8x128xi32, #tpu.memory_space<vmem>>
          %dma_start3A_699 = tpu.memref_slice %arg2[%mul3A_691, %mul3A_2] : memref<200x4096xi32, #tpu.memory_space<hbm>> -> memref<8x128xi32, #tpu.memory_space<hbm>>
          tpu.enqueue_dma source(%dma_start3A_699 : memref<8x128xi32, #tpu.memory_space<hbm>>) target(%dma_start3A_698 : memref<8x128xi32, #tpu.memory_space<vmem>>) target_semaphore(%run_scoped3A : memref<!tpu.dma_semaphore, #tpu.memory_space<semaphore_mem>>)
          %dma_wait3A_700 = arith.constant 0 : i32
          %dma_wait3A_701 = tpu.memref_slice %arg5[%mul3A_693, %dma_wait3A_700] : memref<16x128xi32, #tpu.memory_space<vmem>> -> memref<8x128xi32, #tpu.memory_space<vmem>>
          %dma_wait3A_702 = tpu.memref_slice %arg2[%mul3A_691, %mul3A_2] : memref<200x4096xi32, #tpu.memory_space<hbm>> -> memref<8x128xi32, #tpu.memory_space<hbm>>
          %dma_wait3A_703 = arith.constant 0 : i32
          %dma_wait3A_704 = tpu.memref_slice %arg5[%mul3A_693, %dma_wait3A_703] : memref<16x128xi32, #tpu.memory_space<vmem>> -> memref<8x128xi32, #tpu.memory_space<vmem>>
          %dma_wait3A_705 = tpu.memref_slice %arg2[%mul3A_691, %mul3A_2] : memref<200x4096xi32, #tpu.memory_space<hbm>> -> memref<8x128xi32, #tpu.memory_space<hbm>>
          tpu.wait_dma2 semaphore(%run_scoped3A : memref<!tpu.dma_semaphore, #tpu.memory_space<semaphore_mem>>) src(%dma_wait3A_705 : memref<8x128xi32, #tpu.memory_space<hbm>>) dst(%dma_wait3A_704 : memref<8x128xi32, #tpu.memory_space<vmem>>)
          tpu.yield
        }) : () -> ()
      } else {
      }
      %dma_wait3A_105 = arith.constant 0 : i32
      %dma_wait3A_106 = tpu.memref_slice %arg5[%add3A_66, %dma_wait3A_105] : memref<16x128xi32, #tpu.memory_space<vmem>> -> memref<1x128xi32, #tpu.memory_space<vmem>>
      %dma_wait3A_107 = tpu.memref_squeeze %dma_wait3A_106 : memref<1x128xi32, #tpu.memory_space<vmem>> -> memref<128xi32, #tpu.memory_space<vmem>>
      %dma_wait3A_108 = arith.constant 0 : i32
      %dma_wait3A_109 = arith.constant 0 : i32
      %dma_wait3A_110 = tpu.memref_slice %arg3[%dma_wait3A_108, %dma_wait3A_109] : memref<1000000x128xf32, #tpu.memory_space<hbm>> -> memref<1000000x128xf32, #tpu.memory_space<hbm>>
      tpu.wait_indirect_dma semaphore(%arg14 : memref<!tpu.dma_semaphore, #tpu.memory_space<semaphore_mem>>) src(%dma_wait3A_110 : memref<1000000x128xf32, #tpu.memory_space<hbm>>) dst(%arg6 : memref<128x128xf32, #tpu.memory_space<vmem>>)
      %ge3A = arith.constant 4 : i32
      %ge3A_111 = arith.cmpi sge, %add3A_66, %ge3A : i32
      %convert_element_type3A_112 = arith.extui %ge3A_111 : i1 to i32
      %cond3A_113 = arith.constant 0 : i32
      %cond3A_114 = arith.cmpi ne, %convert_element_type3A_112, %cond3A_113 : i32
      scf.if %cond3A_114 {
        %dma_wait3A_622 = arith.constant 0 : i32
        %dma_wait3A_623 = tpu.memref_slice %arg4[%add3A_66, %dma_wait3A_622, %mul3A_2] : memref<200x64x4096xf32, #tpu.memory_space<hbm>> -> memref<1x64x128xf32, #tpu.memory_space<hbm>>
        %dma_wait3A_624 = tpu.memref_squeeze %dma_wait3A_623 : memref<1x64x128xf32, #tpu.memory_space<hbm>> -> memref<64x128xf32, #tpu.memory_space<hbm>>
        %dma_wait3A_625 = arith.constant 0 : i32
        %dma_wait3A_626 = tpu.memref_slice %arg4[%add3A_66, %dma_wait3A_625, %mul3A_2] : memref<200x64x4096xf32, #tpu.memory_space<hbm>> -> memref<1x64x128xf32, #tpu.memory_space<hbm>>
        %dma_wait3A_627 = tpu.memref_squeeze %dma_wait3A_626 : memref<1x64x128xf32, #tpu.memory_space<hbm>> -> memref<64x128xf32, #tpu.memory_space<hbm>>
        tpu.wait_dma2 semaphore(%arg18 : memref<!tpu.dma_semaphore, #tpu.memory_space<semaphore_mem>>) src(%arg10 : memref<64x128xf32, #tpu.memory_space<vmem>>) dst(%dma_wait3A_627 : memref<64x128xf32, #tpu.memory_space<hbm>>)
      } else {
      }
      %jit3A_115 = arith.constant 8 : i32
      %div3A_116 = arith.divsi %add3A_66, %jit3A_115 : i32
      %sign3A_117 = arith.constant 0 : i32
      %sign3A_118 = arith.cmpi sgt, %add3A_66, %sign3A_117 : i32
      %sign3A_119 = arith.extui %sign3A_118 : i1 to i32
      %sign3A_120 = arith.constant 0 : i32
      %sign3A_121 = arith.cmpi slt, %add3A_66, %sign3A_120 : i32
      %sign3A_122 = arith.extui %sign3A_121 : i1 to i32
      %sign3A_123 = arith.subi %sign3A_119, %sign3A_122 : i32
      %sign3A_124 = arith.constant 0 : i32
      %sign3A_125 = arith.cmpi sgt, %jit3A_115, %sign3A_124 : i32
      %sign3A_126 = arith.extui %sign3A_125 : i1 to i32
      %sign3A_127 = arith.constant 0 : i32
      %sign3A_128 = arith.cmpi slt, %jit3A_115, %sign3A_127 : i32
      %sign3A_129 = arith.extui %sign3A_128 : i1 to i32
      %sign3A_130 = arith.subi %sign3A_126, %sign3A_129 : i32
      %ne3A_131 = arith.cmpi ne, %sign3A_123, %sign3A_130 : i32
      %rem3A_132 = arith.remsi %add3A_66, %jit3A_115 : i32
      %ne3A_133 = arith.constant 0 : i32
      %ne3A_134 = arith.cmpi ne, %rem3A_132, %ne3A_133 : i32
      %and3A_135 = arith.andi %ne3A_131, %ne3A_134 : i1
      %sub3A_136 = arith.constant 1 : i32
      %sub3A_137 = arith.subi %div3A_116, %sub3A_136 : i32
      %select_n3A_138 = arith.select %and3A_135, %sub3A_137, %div3A_116 : i32
      %jit3A_139 = arith.constant 2 : i32
      %eq3A_140 = arith.constant 0 : i32
      %eq3A_141 = arith.cmpi eq, %jit3A_139, %eq3A_140 : i32
      %jit3A_142 = arith.constant 1 : i32
      %select_n3A_143 = arith.select %eq3A_141, %jit3A_142, %jit3A_139 : i32
      %rem3A_144 = arith.remsi %select_n3A_138, %select_n3A_143 : i32
      %ne3A_145 = arith.constant 0 : i32
      %ne3A_146 = arith.cmpi ne, %rem3A_144, %ne3A_145 : i32
      %lt3A_147 = arith.constant 0 : i32
      %lt3A_148 = arith.cmpi slt, %rem3A_144, %lt3A_147 : i32
      %lt3A_149 = arith.constant 0 : i32
      %lt3A_150 = arith.cmpi slt, %select_n3A_143, %lt3A_149 : i32
      %ne3A_151 = arith.xori %lt3A_148, %lt3A_150 : i1
      %and3A_152 = arith.andi %ne3A_151, %ne3A_146 : i1
      %add3A_153 = arith.addi %rem3A_144, %select_n3A_143 : i32
      %select_n3A_154 = arith.select %and3A_152, %add3A_153, %rem3A_144 : i32
      %mul3A_155 = arith.constant 8 : i32
      %mul3A_156 = arith.muli %select_n3A_154, %mul3A_155 : i32
      %jit3A_157 = arith.constant 8 : i32
      %eq3A_158 = arith.constant 0 : i32
      %eq3A_159 = arith.cmpi eq, %jit3A_157, %eq3A_158 : i32
      %jit3A_160 = arith.constant 1 : i32
      %select_n3A_161 = arith.select %eq3A_159, %jit3A_160, %jit3A_157 : i32
      %rem3A_162 = arith.remsi %add3A_66, %select_n3A_161 : i32
      %ne3A_163 = arith.constant 0 : i32
      %ne3A_164 = arith.cmpi ne, %rem3A_162, %ne3A_163 : i32
      %lt3A_165 = arith.constant 0 : i32
      %lt3A_166 = arith.cmpi slt, %rem3A_162, %lt3A_165 : i32
      %lt3A_167 = arith.constant 0 : i32
      %lt3A_168 = arith.cmpi slt, %select_n3A_161, %lt3A_167 : i32
      %ne3A_169 = arith.xori %lt3A_166, %lt3A_168 : i1
      %and3A_170 = arith.andi %ne3A_169, %ne3A_164 : i1
      %add3A_171 = arith.addi %rem3A_162, %select_n3A_161 : i32
      %select_n3A_172 = arith.select %and3A_170, %add3A_171, %rem3A_162 : i32
      %add3A_173 = arith.addi %mul3A_156, %select_n3A_172 : i32
      %scan3A_174 = arith.constant 0 : i32
      %scan3A_175 = arith.constant 0 : i32
      %scan3A_176 = arith.constant 8 : i32
      %scan3A_177 = arith.addi %scan3A_175, %scan3A_176 : i32
      %scan3A_178 = arith.constant 1 : i32
      scf.for %scan3A_622 = %scan3A_175 to %scan3A_177 step %scan3A_178  : i32 {
        %mul3A_623 = arith.constant 16 : i32
        %mul3A_624 = arith.muli %scan3A_622, %mul3A_623 : i32
        %get3A = arith.index_cast %add3A_173 : i32 to index
        %get3A_625 = arith.index_cast %mul3A_624 : i32 to index
        %get3A_626 = tpu.vector_load %arg5[%get3A, %get3A_625] {strides = array<i32>} : memref<16x128xi32, #tpu.memory_space<vmem>>, vector<16xi32>,
        %eq3A_627 = arith.constant 0 : i32
        %eq3A_628 = vector.broadcast %eq3A_627 : i32 to vector<16xi32>
        %eq3A_629 = arith.cmpi eq, %get3A_626, %eq3A_628 : vector<16xi32>
        %jit3A_630 = arith.constant 0.000000e+00 : f32
        %jit3A_631 = arith.constant 8.000000e+00 : f32
        %broadcast_in_dim3A = vector.broadcast %jit3A_630 : f32 to vector<16xf32>
        %broadcast_in_dim3A_632 = vector.broadcast %jit3A_631 : f32 to vector<16xf32>
        %select_n3A_633 = arith.select %eq3A_629, %broadcast_in_dim3A, %broadcast_in_dim3A_632 : vector<16xi1>, vector<16xf32>
        %iota3A = tpu.iota {dimensions = array<i32: 0>} : vector<16xi32>
        %mul3A_634 = arith.constant 16 : i32
        %mul3A_635 = arith.muli %scan3A_622, %mul3A_634 : i32
        %add3A_636 = vector.broadcast %mul3A_635 : i32 to vector<16xi32>
        %add3A_637 = arith.addi %add3A_636, %iota3A : vector<16xi32>
        %parallel_loop3A = arith.constant 0 : i32
        %parallel_loop3A_638 = arith.constant 64 : i32
        %parallel_loop3A_639 = arith.constant 1 : i32
        scf.for %parallel_loop3A_640 = %parallel_loop3A to %parallel_loop3A_638 step %parallel_loop3A_639  : i32 {
          %parallel_loop3A_641 = vector.broadcast %parallel_loop3A_640 : i32 to vector<16xi32>
          %parallel_loop3A_642 = arith.addi %iota3A, %parallel_loop3A_641 : vector<16xi32>
          %parallel_loop3A_643 = arith.constant 63 : i32
          %parallel_loop3A_644 = vector.broadcast %parallel_loop3A_643 : i32 to vector<16xi32>
          %parallel_loop3A_645 = arith.andi %parallel_loop3A_642, %parallel_loop3A_644 : vector<16xi32>
          %parallel_loop3A_646 = tpu.vector_load_idx %arg6[%add3A_637, %parallel_loop3A_645] : memref<128x128xf32, #tpu.memory_space<vmem>>[vector<16xi32>, vector<16xi32>], vector<16xf32>,
          %parallel_loop3A_647 = arith.mulf %parallel_loop3A_646, %select_n3A_633 : vector<16xf32>
          tpu.vector_store_idx %arg10[%parallel_loop3A_645, %add3A_637], %parallel_loop3A_647 : memref<64x128xf32, #tpu.memory_space<vmem>>[vector<16xi32>, vector<16xi32>], vector<16xf32>,
        } {sc.loop_unroll_factor = 8 : i64, sc.parallel_access}
      }
      %scan3A_179 = arith.constant 8 : i32
      %dma_start3A_180 = arith.constant 0 : i32
      %dma_start3A_181 = tpu.memref_slice %arg4[%add3A_66, %dma_start3A_180, %mul3A_2] : memref<200x64x4096xf32, #tpu.memory_space<hbm>> -> memref<1x64x128xf32, #tpu.memory_space<hbm>>
      %dma_start3A_182 = tpu.memref_squeeze %dma_start3A_181 : memref<1x64x128xf32, #tpu.memory_space<hbm>> -> memref<64x128xf32, #tpu.memory_space<hbm>>
      %dma_start3A_183 = arith.constant 0 : i32
      %dma_start3A_184 = tpu.memref_slice %arg4[%add3A_66, %dma_start3A_183, %mul3A_2] : memref<200x64x4096xf32, #tpu.memory_space<hbm>> -> memref<1x64x128xf32, #tpu.memory_space<hbm>>
      %dma_start3A_185 = tpu.memref_squeeze %dma_start3A_184 : memref<1x64x128xf32, #tpu.memory_space<hbm>> -> memref<64x128xf32, #tpu.memory_space<hbm>>
      tpu.enqueue_dma source(%arg10 : memref<64x128xf32, #tpu.memory_space<vmem>>) target(%dma_start3A_185 : memref<64x128xf32, #tpu.memory_space<hbm>>) target_semaphore(%arg18 : memref<!tpu.dma_semaphore, #tpu.memory_space<semaphore_mem>>)
      %add3A_186 = arith.constant 4 : i32
      %add3A_187 = arith.addi %add3A_66, %add3A_186 : i32
      %lt3A_188 = arith.constant 200 : i32
      %lt3A_189 = arith.cmpi slt, %add3A_187, %lt3A_188 : i32
      %convert_element_type3A_190 = arith.extui %lt3A_189 : i1 to i32
      %cond3A_191 = arith.constant 0 : i32
      %cond3A_192 = arith.cmpi ne, %convert_element_type3A_190, %cond3A_191 : i32
      scf.if %cond3A_192 {
        %add3A_622 = arith.constant 4 : i32
        %add3A_623 = arith.addi %add3A_66, %add3A_622 : i32
        %jit3A_624 = arith.constant 8 : i32
        %div3A_625 = arith.divsi %add3A_623, %jit3A_624 : i32
        %sign3A_626 = arith.constant 0 : i32
        %sign3A_627 = arith.cmpi sgt, %add3A_623, %sign3A_626 : i32
        %sign3A_628 = arith.extui %sign3A_627 : i1 to i32
        %sign3A_629 = arith.constant 0 : i32
        %sign3A_630 = arith.cmpi slt, %add3A_623, %sign3A_629 : i32
        %sign3A_631 = arith.extui %sign3A_630 : i1 to i32
        %sign3A_632 = arith.subi %sign3A_628, %sign3A_631 : i32
        %sign3A_633 = arith.constant 0 : i32
        %sign3A_634 = arith.cmpi sgt, %jit3A_624, %sign3A_633 : i32
        %sign3A_635 = arith.extui %sign3A_634 : i1 to i32
        %sign3A_636 = arith.constant 0 : i32
        %sign3A_637 = arith.cmpi slt, %jit3A_624, %sign3A_636 : i32
        %sign3A_638 = arith.extui %sign3A_637 : i1 to i32
        %sign3A_639 = arith.subi %sign3A_635, %sign3A_638 : i32
        %ne3A_640 = arith.cmpi ne, %sign3A_632, %sign3A_639 : i32
        %rem3A_641 = arith.remsi %add3A_623, %jit3A_624 : i32
        %ne3A_642 = arith.constant 0 : i32
        %ne3A_643 = arith.cmpi ne, %rem3A_641, %ne3A_642 : i32
        %and3A_644 = arith.andi %ne3A_640, %ne3A_643 : i1
        %sub3A_645 = arith.constant 1 : i32
        %sub3A_646 = arith.subi %div3A_625, %sub3A_645 : i32
        %select_n3A_647 = arith.select %and3A_644, %sub3A_646, %div3A_625 : i32
        %jit3A_648 = arith.constant 2 : i32
        %eq3A_649 = arith.constant 0 : i32
        %eq3A_650 = arith.cmpi eq, %jit3A_648, %eq3A_649 : i32
        %jit3A_651 = arith.constant 1 : i32
        %select_n3A_652 = arith.select %eq3A_650, %jit3A_651, %jit3A_648 : i32
        %rem3A_653 = arith.remsi %select_n3A_647, %select_n3A_652 : i32
        %ne3A_654 = arith.constant 0 : i32
        %ne3A_655 = arith.cmpi ne, %rem3A_653, %ne3A_654 : i32
        %lt3A_656 = arith.constant 0 : i32
        %lt3A_657 = arith.cmpi slt, %rem3A_653, %lt3A_656 : i32
        %lt3A_658 = arith.constant 0 : i32
        %lt3A_659 = arith.cmpi slt, %select_n3A_652, %lt3A_658 : i32
        %ne3A_660 = arith.xori %lt3A_657, %lt3A_659 : i1
        %and3A_661 = arith.andi %ne3A_660, %ne3A_655 : i1
        %add3A_662 = arith.addi %rem3A_653, %select_n3A_652 : i32
        %select_n3A_663 = arith.select %and3A_661, %add3A_662, %rem3A_653 : i32
        %mul3A_664 = arith.constant 8 : i32
        %mul3A_665 = arith.muli %select_n3A_663, %mul3A_664 : i32
        %jit3A_666 = arith.constant 8 : i32
        %eq3A_667 = arith.constant 0 : i32
        %eq3A_668 = arith.cmpi eq, %jit3A_666, %eq3A_667 : i32
        %jit3A_669 = arith.constant 1 : i32
        %select_n3A_670 = arith.select %eq3A_668, %jit3A_669, %jit3A_666 : i32
        %rem3A_671 = arith.remsi %add3A_623, %select_n3A_670 : i32
        %ne3A_672 = arith.constant 0 : i32
        %ne3A_673 = arith.cmpi ne, %rem3A_671, %ne3A_672 : i32
        %lt3A_674 = arith.constant 0 : i32
        %lt3A_675 = arith.cmpi slt, %rem3A_671, %lt3A_674 : i32
        %lt3A_676 = arith.constant 0 : i32
        %lt3A_677 = arith.cmpi slt, %select_n3A_670, %lt3A_676 : i32
        %ne3A_678 = arith.xori %lt3A_675, %lt3A_677 : i1
        %and3A_679 = arith.andi %ne3A_678, %ne3A_673 : i1
        %add3A_680 = arith.addi %rem3A_671, %select_n3A_670 : i32
        %select_n3A_681 = arith.select %and3A_679, %add3A_680, %rem3A_671 : i32
        %add3A_682 = arith.addi %mul3A_665, %select_n3A_681 : i32
        %dma_start3A_683 = arith.constant 0 : i32
        %dma_start3A_684 = tpu.memref_slice %arg5[%add3A_682, %dma_start3A_683] : memref<16x128xi32, #tpu.memory_space<vmem>> -> memref<1x128xi32, #tpu.memory_space<vmem>>
        %dma_start3A_685 = tpu.memref_squeeze %dma_start3A_684 : memref<1x128xi32, #tpu.memory_space<vmem>> -> memref<128xi32, #tpu.memory_space<vmem>>
        %dma_start3A_686 = arith.constant 0 : i32
        %dma_start3A_687 = arith.constant 0 : i32
        %dma_start3A_688 = tpu.memref_slice %arg3[%dma_start3A_686, %dma_start3A_687] : memref<1000000x128xf32, #tpu.memory_space<hbm>> -> memref<1000000x128xf32, #tpu.memory_space<hbm>>
        tpu.enqueue_indirect_dma source(%dma_start3A_688 : memref<1000000x128xf32, #tpu.memory_space<hbm>>) target(%arg6 : memref<128x128xf32, #tpu.memory_space<vmem>>) offsets(%dma_start3A_685 : memref<128xi32, #tpu.memory_space<vmem>>) semaphore(%arg14 : memref<!tpu.dma_semaphore, #tpu.memory_space<semaphore_mem>>)
      } else {
      }
      %mul3A_193 = arith.constant 4 : i32
      %mul3A_194 = arith.muli %scan3A_62, %mul3A_193 : i32
      %add3A_195 = arith.constant 1 : i32
      %add3A_196 = arith.addi %mul3A_194, %add3A_195 : i32
      %jit3A_197 = arith.constant 8 : i32
      %eq3A_198 = arith.constant 0 : i32
      %eq3A_199 = arith.cmpi eq, %jit3A_197, %eq3A_198 : i32
      %jit3A_200 = arith.constant 1 : i32
      %select_n3A_201 = arith.select %eq3A_199, %jit3A_200, %jit3A_197 : i32
      %rem3A_202 = arith.remsi %add3A_196, %select_n3A_201 : i32
      %ne3A_203 = arith.constant 0 : i32
      %ne3A_204 = arith.cmpi ne, %rem3A_202, %ne3A_203 : i32
      %lt3A_205 = arith.constant 0 : i32
      %lt3A_206 = arith.cmpi slt, %rem3A_202, %lt3A_205 : i32
      %lt3A_207 = arith.constant 0 : i32
      %lt3A_208 = arith.cmpi slt, %select_n3A_201, %lt3A_207 : i32
      %ne3A_209 = arith.xori %lt3A_206, %lt3A_208 : i1
      %and3A_210 = arith.andi %ne3A_209, %ne3A_204 : i1
      %add3A_211 = arith.addi %rem3A_202, %select_n3A_201 : i32
      %select_n3A_212 = arith.select %and3A_210, %add3A_211, %rem3A_202 : i32
      %eq3A_213 = arith.constant 0 : i32
      %eq3A_214 = arith.cmpi eq, %select_n3A_212, %eq3A_213 : i32
      %jit3A_215 = arith.constant 8 : i32
      %div3A_216 = arith.divsi %add3A_196, %jit3A_215 : i32
      %sign3A_217 = arith.constant 0 : i32
      %sign3A_218 = arith.cmpi sgt, %add3A_196, %sign3A_217 : i32
      %sign3A_219 = arith.extui %sign3A_218 : i1 to i32
      %sign3A_220 = arith.constant 0 : i32
      %sign3A_221 = arith.cmpi slt, %add3A_196, %sign3A_220 : i32
      %sign3A_222 = arith.extui %sign3A_221 : i1 to i32
      %sign3A_223 = arith.subi %sign3A_219, %sign3A_222 : i32
      %sign3A_224 = arith.constant 0 : i32
      %sign3A_225 = arith.cmpi sgt, %jit3A_215, %sign3A_224 : i32
      %sign3A_226 = arith.extui %sign3A_225 : i1 to i32
      %sign3A_227 = arith.constant 0 : i32
      %sign3A_228 = arith.cmpi slt, %jit3A_215, %sign3A_227 : i32
      %sign3A_229 = arith.extui %sign3A_228 : i1 to i32
      %sign3A_230 = arith.subi %sign3A_226, %sign3A_229 : i32
      %ne3A_231 = arith.cmpi ne, %sign3A_223, %sign3A_230 : i32
      %rem3A_232 = arith.remsi %add3A_196, %jit3A_215 : i32
      %ne3A_233 = arith.constant 0 : i32
      %ne3A_234 = arith.cmpi ne, %rem3A_232, %ne3A_233 : i32
      %and3A_235 = arith.andi %ne3A_231, %ne3A_234 : i1
      %sub3A_236 = arith.constant 1 : i32
      %sub3A_237 = arith.subi %div3A_216, %sub3A_236 : i32
      %select_n3A_238 = arith.select %and3A_235, %sub3A_237, %div3A_216 : i32
      %add3A_239 = arith.constant 1 : i32
      %add3A_240 = arith.addi %select_n3A_238, %add3A_239 : i32
      %lt3A_241 = arith.constant 25 : i32
      %lt3A_242 = arith.cmpi slt, %add3A_240, %lt3A_241 : i32
      %and3A_243 = arith.andi %eq3A_214, %lt3A_242 : i1
      %convert_element_type3A_244 = arith.extui %and3A_243 : i1 to i32
      %cond3A_245 = arith.constant 0 : i32
      %cond3A_246 = arith.cmpi ne, %convert_element_type3A_244, %cond3A_245 : i32
      scf.if %cond3A_246 {
        %jit3A_622 = arith.constant 8 : i32
        %div3A_623 = arith.divsi %add3A_196, %jit3A_622 : i32
        %sign3A_624 = arith.constant 0 : i32
        %sign3A_625 = arith.cmpi sgt, %add3A_196, %sign3A_624 : i32
        %sign3A_626 = arith.extui %sign3A_625 : i1 to i32
        %sign3A_627 = arith.constant 0 : i32
        %sign3A_628 = arith.cmpi slt, %add3A_196, %sign3A_627 : i32
        %sign3A_629 = arith.extui %sign3A_628 : i1 to i32
        %sign3A_630 = arith.subi %sign3A_626, %sign3A_629 : i32
        %sign3A_631 = arith.constant 0 : i32
        %sign3A_632 = arith.cmpi sgt, %jit3A_622, %sign3A_631 : i32
        %sign3A_633 = arith.extui %sign3A_632 : i1 to i32
        %sign3A_634 = arith.constant 0 : i32
        %sign3A_635 = arith.cmpi slt, %jit3A_622, %sign3A_634 : i32
        %sign3A_636 = arith.extui %sign3A_635 : i1 to i32
        %sign3A_637 = arith.subi %sign3A_633, %sign3A_636 : i32
        %ne3A_638 = arith.cmpi ne, %sign3A_630, %sign3A_637 : i32
        %rem3A_639 = arith.remsi %add3A_196, %jit3A_622 : i32
        %ne3A_640 = arith.constant 0 : i32
        %ne3A_641 = arith.cmpi ne, %rem3A_639, %ne3A_640 : i32
        %and3A_642 = arith.andi %ne3A_638, %ne3A_641 : i1
        %sub3A_643 = arith.constant 1 : i32
        %sub3A_644 = arith.subi %div3A_623, %sub3A_643 : i32
        %select_n3A_645 = arith.select %and3A_642, %sub3A_644, %div3A_623 : i32
        %add3A_646 = arith.constant 1 : i32
        %add3A_647 = arith.addi %select_n3A_645, %add3A_646 : i32
        %jit3A_648 = arith.constant 8 : i32
        %div3A_649 = arith.divsi %add3A_196, %jit3A_648 : i32
        %sign3A_650 = arith.constant 0 : i32
        %sign3A_651 = arith.cmpi sgt, %add3A_196, %sign3A_650 : i32
        %sign3A_652 = arith.extui %sign3A_651 : i1 to i32
        %sign3A_653 = arith.constant 0 : i32
        %sign3A_654 = arith.cmpi slt, %add3A_196, %sign3A_653 : i32
        %sign3A_655 = arith.extui %sign3A_654 : i1 to i32
        %sign3A_656 = arith.subi %sign3A_652, %sign3A_655 : i32
        %sign3A_657 = arith.constant 0 : i32
        %sign3A_658 = arith.cmpi sgt, %jit3A_648, %sign3A_657 : i32
        %sign3A_659 = arith.extui %sign3A_658 : i1 to i32
        %sign3A_660 = arith.constant 0 : i32
        %sign3A_661 = arith.cmpi slt, %jit3A_648, %sign3A_660 : i32
        %sign3A_662 = arith.extui %sign3A_661 : i1 to i32
        %sign3A_663 = arith.subi %sign3A_659, %sign3A_662 : i32
        %ne3A_664 = arith.cmpi ne, %sign3A_656, %sign3A_663 : i32
        %rem3A_665 = arith.remsi %add3A_196, %jit3A_648 : i32
        %ne3A_666 = arith.constant 0 : i32
        %ne3A_667 = arith.cmpi ne, %rem3A_665, %ne3A_666 : i32
        %and3A_668 = arith.andi %ne3A_664, %ne3A_667 : i1
        %sub3A_669 = arith.constant 1 : i32
        %sub3A_670 = arith.subi %div3A_649, %sub3A_669 : i32
        %select_n3A_671 = arith.select %and3A_668, %sub3A_670, %div3A_649 : i32
        %add3A_672 = arith.constant 1 : i32
        %add3A_673 = arith.addi %select_n3A_671, %add3A_672 : i32
        %jit3A_674 = arith.constant 2 : i32
        %eq3A_675 = arith.constant 0 : i32
        %eq3A_676 = arith.cmpi eq, %jit3A_674, %eq3A_675 : i32
        %jit3A_677 = arith.constant 1 : i32
        %select_n3A_678 = arith.select %eq3A_676, %jit3A_677, %jit3A_674 : i32
        %rem3A_679 = arith.remsi %add3A_673, %select_n3A_678 : i32
        %ne3A_680 = arith.constant 0 : i32
        %ne3A_681 = arith.cmpi ne, %rem3A_679, %ne3A_680 : i32
        %lt3A_682 = arith.constant 0 : i32
        %lt3A_683 = arith.cmpi slt, %rem3A_679, %lt3A_682 : i32
        %lt3A_684 = arith.constant 0 : i32
        %lt3A_685 = arith.cmpi slt, %select_n3A_678, %lt3A_684 : i32
        %ne3A_686 = arith.xori %lt3A_683, %lt3A_685 : i1
        %and3A_687 = arith.andi %ne3A_686, %ne3A_681 : i1
        %add3A_688 = arith.addi %rem3A_679, %select_n3A_678 : i32
        %select_n3A_689 = arith.select %and3A_687, %add3A_688, %rem3A_679 : i32
        %mul3A_690 = arith.constant 8 : i32
        %mul3A_691 = arith.muli %add3A_647, %mul3A_690 : i32
        %mul3A_692 = arith.constant 8 : i32
        %mul3A_693 = arith.muli %select_n3A_689, %mul3A_692 : i32
        "tpu.region"() ({
          %run_scoped3A = tpu.sem_alloc : memref<!tpu.dma_semaphore, #tpu.memory_space<semaphore_mem>>
          %dma_start3A_694 = arith.constant 0 : i32
          %dma_start3A_695 = tpu.memref_slice %arg5[%mul3A_693, %dma_start3A_694] : memref<16x128xi32, #tpu.memory_space<vmem>> -> memref<8x128xi32, #tpu.memory_space<vmem>>
          %dma_start3A_696 = tpu.memref_slice %arg2[%mul3A_691, %mul3A_2] : memref<200x4096xi32, #tpu.memory_space<hbm>> -> memref<8x128xi32, #tpu.memory_space<hbm>>
          %dma_start3A_697 = arith.constant 0 : i32
          %dma_start3A_698 = tpu.memref_slice %arg5[%mul3A_693, %dma_start3A_697] : memref<16x128xi32, #tpu.memory_space<vmem>> -> memref<8x128xi32, #tpu.memory_space<vmem>>
          %dma_start3A_699 = tpu.memref_slice %arg2[%mul3A_691, %mul3A_2] : memref<200x4096xi32, #tpu.memory_space<hbm>> -> memref<8x128xi32, #tpu.memory_space<hbm>>
          tpu.enqueue_dma source(%dma_start3A_699 : memref<8x128xi32, #tpu.memory_space<hbm>>) target(%dma_start3A_698 : memref<8x128xi32, #tpu.memory_space<vmem>>) target_semaphore(%run_scoped3A : memref<!tpu.dma_semaphore, #tpu.memory_space<semaphore_mem>>)
          %dma_wait3A_700 = arith.constant 0 : i32
          %dma_wait3A_701 = tpu.memref_slice %arg5[%mul3A_693, %dma_wait3A_700] : memref<16x128xi32, #tpu.memory_space<vmem>> -> memref<8x128xi32, #tpu.memory_space<vmem>>
          %dma_wait3A_702 = tpu.memref_slice %arg2[%mul3A_691, %mul3A_2] : memref<200x4096xi32, #tpu.memory_space<hbm>> -> memref<8x128xi32, #tpu.memory_space<hbm>>
          %dma_wait3A_703 = arith.constant 0 : i32
          %dma_wait3A_704 = tpu.memref_slice %arg5[%mul3A_693, %dma_wait3A_703] : memref<16x128xi32, #tpu.memory_space<vmem>> -> memref<8x128xi32, #tpu.memory_space<vmem>>
          %dma_wait3A_705 = tpu.memref_slice %arg2[%mul3A_691, %mul3A_2] : memref<200x4096xi32, #tpu.memory_space<hbm>> -> memref<8x128xi32, #tpu.memory_space<hbm>>
          tpu.wait_dma2 semaphore(%run_scoped3A : memref<!tpu.dma_semaphore, #tpu.memory_space<semaphore_mem>>) src(%dma_wait3A_705 : memref<8x128xi32, #tpu.memory_space<hbm>>) dst(%dma_wait3A_704 : memref<8x128xi32, #tpu.memory_space<vmem>>)
          tpu.yield
        }) : () -> ()
      } else {
      }
      %dma_wait3A_247 = arith.constant 0 : i32
      %dma_wait3A_248 = tpu.memref_slice %arg5[%add3A_196, %dma_wait3A_247] : memref<16x128xi32, #tpu.memory_space<vmem>> -> memref<1x128xi32, #tpu.memory_space<vmem>>
      %dma_wait3A_249 = tpu.memref_squeeze %dma_wait3A_248 : memref<1x128xi32, #tpu.memory_space<vmem>> -> memref<128xi32, #tpu.memory_space<vmem>>
      %dma_wait3A_250 = arith.constant 0 : i32
      %dma_wait3A_251 = arith.constant 0 : i32
      %dma_wait3A_252 = tpu.memref_slice %arg3[%dma_wait3A_250, %dma_wait3A_251] : memref<1000000x128xf32, #tpu.memory_space<hbm>> -> memref<1000000x128xf32, #tpu.memory_space<hbm>>
      tpu.wait_indirect_dma semaphore(%arg15 : memref<!tpu.dma_semaphore, #tpu.memory_space<semaphore_mem>>) src(%dma_wait3A_252 : memref<1000000x128xf32, #tpu.memory_space<hbm>>) dst(%arg7 : memref<128x128xf32, #tpu.memory_space<vmem>>)
      %ge3A_253 = arith.constant 4 : i32
      %ge3A_254 = arith.cmpi sge, %add3A_196, %ge3A_253 : i32
      %convert_element_type3A_255 = arith.extui %ge3A_254 : i1 to i32
      %cond3A_256 = arith.constant 0 : i32
      %cond3A_257 = arith.cmpi ne, %convert_element_type3A_255, %cond3A_256 : i32
      scf.if %cond3A_257 {
        %dma_wait3A_622 = arith.constant 0 : i32
        %dma_wait3A_623 = tpu.memref_slice %arg4[%add3A_196, %dma_wait3A_622, %mul3A_2] : memref<200x64x4096xf32, #tpu.memory_space<hbm>> -> memref<1x64x128xf32, #tpu.memory_space<hbm>>
        %dma_wait3A_624 = tpu.memref_squeeze %dma_wait3A_623 : memref<1x64x128xf32, #tpu.memory_space<hbm>> -> memref<64x128xf32, #tpu.memory_space<hbm>>
        %dma_wait3A_625 = arith.constant 0 : i32
        %dma_wait3A_626 = tpu.memref_slice %arg4[%add3A_196, %dma_wait3A_625, %mul3A_2] : memref<200x64x4096xf32, #tpu.memory_space<hbm>> -> memref<1x64x128xf32, #tpu.memory_space<hbm>>
        %dma_wait3A_627 = tpu.memref_squeeze %dma_wait3A_626 : memref<1x64x128xf32, #tpu.memory_space<hbm>> -> memref<64x128xf32, #tpu.memory_space<hbm>>
        tpu.wait_dma2 semaphore(%arg19 : memref<!tpu.dma_semaphore, #tpu.memory_space<semaphore_mem>>) src(%arg11 : memref<64x128xf32, #tpu.memory_space<vmem>>) dst(%dma_wait3A_627 : memref<64x128xf32, #tpu.memory_space<hbm>>)
      } else {
      }
      %jit3A_258 = arith.constant 8 : i32
      %div3A_259 = arith.divsi %add3A_196, %jit3A_258 : i32
      %sign3A_260 = arith.constant 0 : i32
      %sign3A_261 = arith.cmpi sgt, %add3A_196, %sign3A_260 : i32
      %sign3A_262 = arith.extui %sign3A_261 : i1 to i32
      %sign3A_263 = arith.constant 0 : i32
      %sign3A_264 = arith.cmpi slt, %add3A_196, %sign3A_263 : i32
      %sign3A_265 = arith.extui %sign3A_264 : i1 to i32
      %sign3A_266 = arith.subi %sign3A_262, %sign3A_265 : i32
      %sign3A_267 = arith.constant 0 : i32
      %sign3A_268 = arith.cmpi sgt, %jit3A_258, %sign3A_267 : i32
      %sign3A_269 = arith.extui %sign3A_268 : i1 to i32
      %sign3A_270 = arith.constant 0 : i32
      %sign3A_271 = arith.cmpi slt, %jit3A_258, %sign3A_270 : i32
      %sign3A_272 = arith.extui %sign3A_271 : i1 to i32
      %sign3A_273 = arith.subi %sign3A_269, %sign3A_272 : i32
      %ne3A_274 = arith.cmpi ne, %sign3A_266, %sign3A_273 : i32
      %rem3A_275 = arith.remsi %add3A_196, %jit3A_258 : i32
      %ne3A_276 = arith.constant 0 : i32
      %ne3A_277 = arith.cmpi ne, %rem3A_275, %ne3A_276 : i32
      %and3A_278 = arith.andi %ne3A_274, %ne3A_277 : i1
      %sub3A_279 = arith.constant 1 : i32
      %sub3A_280 = arith.subi %div3A_259, %sub3A_279 : i32
      %select_n3A_281 = arith.select %and3A_278, %sub3A_280, %div3A_259 : i32
      %jit3A_282 = arith.constant 2 : i32
      %eq3A_283 = arith.constant 0 : i32
      %eq3A_284 = arith.cmpi eq, %jit3A_282, %eq3A_283 : i32
      %jit3A_285 = arith.constant 1 : i32
      %select_n3A_286 = arith.select %eq3A_284, %jit3A_285, %jit3A_282 : i32
      %rem3A_287 = arith.remsi %select_n3A_281, %select_n3A_286 : i32
      %ne3A_288 = arith.constant 0 : i32
      %ne3A_289 = arith.cmpi ne, %rem3A_287, %ne3A_288 : i32
      %lt3A_290 = arith.constant 0 : i32
      %lt3A_291 = arith.cmpi slt, %rem3A_287, %lt3A_290 : i32
      %lt3A_292 = arith.constant 0 : i32
      %lt3A_293 = arith.cmpi slt, %select_n3A_286, %lt3A_292 : i32
      %ne3A_294 = arith.xori %lt3A_291, %lt3A_293 : i1
      %and3A_295 = arith.andi %ne3A_294, %ne3A_289 : i1
      %add3A_296 = arith.addi %rem3A_287, %select_n3A_286 : i32
      %select_n3A_297 = arith.select %and3A_295, %add3A_296, %rem3A_287 : i32
      %mul3A_298 = arith.constant 8 : i32
      %mul3A_299 = arith.muli %select_n3A_297, %mul3A_298 : i32
      %jit3A_300 = arith.constant 8 : i32
      %eq3A_301 = arith.constant 0 : i32
      %eq3A_302 = arith.cmpi eq, %jit3A_300, %eq3A_301 : i32
      %jit3A_303 = arith.constant 1 : i32
      %select_n3A_304 = arith.select %eq3A_302, %jit3A_303, %jit3A_300 : i32
      %rem3A_305 = arith.remsi %add3A_196, %select_n3A_304 : i32
      %ne3A_306 = arith.constant 0 : i32
      %ne3A_307 = arith.cmpi ne, %rem3A_305, %ne3A_306 : i32
      %lt3A_308 = arith.constant 0 : i32
      %lt3A_309 = arith.cmpi slt, %rem3A_305, %lt3A_308 : i32
      %lt3A_310 = arith.constant 0 : i32
      %lt3A_311 = arith.cmpi slt, %select_n3A_304, %lt3A_310 : i32
      %ne3A_312 = arith.xori %lt3A_309, %lt3A_311 : i1
      %and3A_313 = arith.andi %ne3A_312, %ne3A_307 : i1
      %add3A_314 = arith.addi %rem3A_305, %select_n3A_304 : i32
      %select_n3A_315 = arith.select %and3A_313, %add3A_314, %rem3A_305 : i32
      %add3A_316 = arith.addi %mul3A_299, %select_n3A_315 : i32
      %scan3A_317 = arith.constant 0 : i32
      %scan3A_318 = arith.constant 0 : i32
      %scan3A_319 = arith.constant 8 : i32
      %scan3A_320 = arith.addi %scan3A_318, %scan3A_319 : i32
      %scan3A_321 = arith.constant 1 : i32
      scf.for %scan3A_622 = %scan3A_318 to %scan3A_320 step %scan3A_321  : i32 {
        %mul3A_623 = arith.constant 16 : i32
        %mul3A_624 = arith.muli %scan3A_622, %mul3A_623 : i32
        %get3A = arith.index_cast %add3A_316 : i32 to index
        %get3A_625 = arith.index_cast %mul3A_624 : i32 to index
        %get3A_626 = tpu.vector_load %arg5[%get3A, %get3A_625] {strides = array<i32>} : memref<16x128xi32, #tpu.memory_space<vmem>>, vector<16xi32>,
        %eq3A_627 = arith.constant 0 : i32
        %eq3A_628 = vector.broadcast %eq3A_627 : i32 to vector<16xi32>
        %eq3A_629 = arith.cmpi eq, %get3A_626, %eq3A_628 : vector<16xi32>
        %jit3A_630 = arith.constant 0.000000e+00 : f32
        %jit3A_631 = arith.constant 8.000000e+00 : f32
        %broadcast_in_dim3A = vector.broadcast %jit3A_630 : f32 to vector<16xf32>
        %broadcast_in_dim3A_632 = vector.broadcast %jit3A_631 : f32 to vector<16xf32>
        %select_n3A_633 = arith.select %eq3A_629, %broadcast_in_dim3A, %broadcast_in_dim3A_632 : vector<16xi1>, vector<16xf32>
        %iota3A = tpu.iota {dimensions = array<i32: 0>} : vector<16xi32>
        %mul3A_634 = arith.constant 16 : i32
        %mul3A_635 = arith.muli %scan3A_622, %mul3A_634 : i32
        %add3A_636 = vector.broadcast %mul3A_635 : i32 to vector<16xi32>
        %add3A_637 = arith.addi %add3A_636, %iota3A : vector<16xi32>
        %parallel_loop3A = arith.constant 0 : i32
        %parallel_loop3A_638 = arith.constant 64 : i32
        %parallel_loop3A_639 = arith.constant 1 : i32
        scf.for %parallel_loop3A_640 = %parallel_loop3A to %parallel_loop3A_638 step %parallel_loop3A_639  : i32 {
          %parallel_loop3A_641 = vector.broadcast %parallel_loop3A_640 : i32 to vector<16xi32>
          %parallel_loop3A_642 = arith.addi %iota3A, %parallel_loop3A_641 : vector<16xi32>
          %parallel_loop3A_643 = arith.constant 63 : i32
          %parallel_loop3A_644 = vector.broadcast %parallel_loop3A_643 : i32 to vector<16xi32>
          %parallel_loop3A_645 = arith.andi %parallel_loop3A_642, %parallel_loop3A_644 : vector<16xi32>
          %parallel_loop3A_646 = tpu.vector_load_idx %arg7[%add3A_637, %parallel_loop3A_645] : memref<128x128xf32, #tpu.memory_space<vmem>>[vector<16xi32>, vector<16xi32>], vector<16xf32>,
          %parallel_loop3A_647 = arith.mulf %parallel_loop3A_646, %select_n3A_633 : vector<16xf32>
          tpu.vector_store_idx %arg11[%parallel_loop3A_645, %add3A_637], %parallel_loop3A_647 : memref<64x128xf32, #tpu.memory_space<vmem>>[vector<16xi32>, vector<16xi32>], vector<16xf32>,
        } {sc.loop_unroll_factor = 8 : i64, sc.parallel_access}
      }
      %scan3A_322 = arith.constant 8 : i32
      %dma_start3A_323 = arith.constant 0 : i32
      %dma_start3A_324 = tpu.memref_slice %arg4[%add3A_196, %dma_start3A_323, %mul3A_2] : memref<200x64x4096xf32, #tpu.memory_space<hbm>> -> memref<1x64x128xf32, #tpu.memory_space<hbm>>
      %dma_start3A_325 = tpu.memref_squeeze %dma_start3A_324 : memref<1x64x128xf32, #tpu.memory_space<hbm>> -> memref<64x128xf32, #tpu.memory_space<hbm>>
      %dma_start3A_326 = arith.constant 0 : i32
      %dma_start3A_327 = tpu.memref_slice %arg4[%add3A_196, %dma_start3A_326, %mul3A_2] : memref<200x64x4096xf32, #tpu.memory_space<hbm>> -> memref<1x64x128xf32, #tpu.memory_space<hbm>>
      %dma_start3A_328 = tpu.memref_squeeze %dma_start3A_327 : memref<1x64x128xf32, #tpu.memory_space<hbm>> -> memref<64x128xf32, #tpu.memory_space<hbm>>
      tpu.enqueue_dma source(%arg11 : memref<64x128xf32, #tpu.memory_space<vmem>>) target(%dma_start3A_328 : memref<64x128xf32, #tpu.memory_space<hbm>>) target_semaphore(%arg19 : memref<!tpu.dma_semaphore, #tpu.memory_space<semaphore_mem>>)
      %add3A_329 = arith.constant 4 : i32
      %add3A_330 = arith.addi %add3A_196, %add3A_329 : i32
      %lt3A_331 = arith.constant 200 : i32
      %lt3A_332 = arith.cmpi slt, %add3A_330, %lt3A_331 : i32
      %convert_element_type3A_333 = arith.extui %lt3A_332 : i1 to i32
      %cond3A_334 = arith.constant 0 : i32
      %cond3A_335 = arith.cmpi ne, %convert_element_type3A_333, %cond3A_334 : i32
      scf.if %cond3A_335 {
        %add3A_622 = arith.constant 4 : i32
        %add3A_623 = arith.addi %add3A_196, %add3A_622 : i32
        %jit3A_624 = arith.constant 8 : i32
        %div3A_625 = arith.divsi %add3A_623, %jit3A_624 : i32
        %sign3A_626 = arith.constant 0 : i32
        %sign3A_627 = arith.cmpi sgt, %add3A_623, %sign3A_626 : i32
        %sign3A_628 = arith.extui %sign3A_627 : i1 to i32
        %sign3A_629 = arith.constant 0 : i32
        %sign3A_630 = arith.cmpi slt, %add3A_623, %sign3A_629 : i32
        %sign3A_631 = arith.extui %sign3A_630 : i1 to i32
        %sign3A_632 = arith.subi %sign3A_628, %sign3A_631 : i32
        %sign3A_633 = arith.constant 0 : i32
        %sign3A_634 = arith.cmpi sgt, %jit3A_624, %sign3A_633 : i32
        %sign3A_635 = arith.extui %sign3A_634 : i1 to i32
        %sign3A_636 = arith.constant 0 : i32
        %sign3A_637 = arith.cmpi slt, %jit3A_624, %sign3A_636 : i32
        %sign3A_638 = arith.extui %sign3A_637 : i1 to i32
        %sign3A_639 = arith.subi %sign3A_635, %sign3A_638 : i32
        %ne3A_640 = arith.cmpi ne, %sign3A_632, %sign3A_639 : i32
        %rem3A_641 = arith.remsi %add3A_623, %jit3A_624 : i32
        %ne3A_642 = arith.constant 0 : i32
        %ne3A_643 = arith.cmpi ne, %rem3A_641, %ne3A_642 : i32
        %and3A_644 = arith.andi %ne3A_640, %ne3A_643 : i1
        %sub3A_645 = arith.constant 1 : i32
        %sub3A_646 = arith.subi %div3A_625, %sub3A_645 : i32
        %select_n3A_647 = arith.select %and3A_644, %sub3A_646, %div3A_625 : i32
        %jit3A_648 = arith.constant 2 : i32
        %eq3A_649 = arith.constant 0 : i32
        %eq3A_650 = arith.cmpi eq, %jit3A_648, %eq3A_649 : i32
        %jit3A_651 = arith.constant 1 : i32
        %select_n3A_652 = arith.select %eq3A_650, %jit3A_651, %jit3A_648 : i32
        %rem3A_653 = arith.remsi %select_n3A_647, %select_n3A_652 : i32
        %ne3A_654 = arith.constant 0 : i32
        %ne3A_655 = arith.cmpi ne, %rem3A_653, %ne3A_654 : i32
        %lt3A_656 = arith.constant 0 : i32
        %lt3A_657 = arith.cmpi slt, %rem3A_653, %lt3A_656 : i32
        %lt3A_658 = arith.constant 0 : i32
        %lt3A_659 = arith.cmpi slt, %select_n3A_652, %lt3A_658 : i32
        %ne3A_660 = arith.xori %lt3A_657, %lt3A_659 : i1
        %and3A_661 = arith.andi %ne3A_660, %ne3A_655 : i1
        %add3A_662 = arith.addi %rem3A_653, %select_n3A_652 : i32
        %select_n3A_663 = arith.select %and3A_661, %add3A_662, %rem3A_653 : i32
        %mul3A_664 = arith.constant 8 : i32
        %mul3A_665 = arith.muli %select_n3A_663, %mul3A_664 : i32
        %jit3A_666 = arith.constant 8 : i32
        %eq3A_667 = arith.constant 0 : i32
        %eq3A_668 = arith.cmpi eq, %jit3A_666, %eq3A_667 : i32
        %jit3A_669 = arith.constant 1 : i32
        %select_n3A_670 = arith.select %eq3A_668, %jit3A_669, %jit3A_666 : i32
        %rem3A_671 = arith.remsi %add3A_623, %select_n3A_670 : i32
        %ne3A_672 = arith.constant 0 : i32
        %ne3A_673 = arith.cmpi ne, %rem3A_671, %ne3A_672 : i32
        %lt3A_674 = arith.constant 0 : i32
        %lt3A_675 = arith.cmpi slt, %rem3A_671, %lt3A_674 : i32
        %lt3A_676 = arith.constant 0 : i32
        %lt3A_677 = arith.cmpi slt, %select_n3A_670, %lt3A_676 : i32
        %ne3A_678 = arith.xori %lt3A_675, %lt3A_677 : i1
        %and3A_679 = arith.andi %ne3A_678, %ne3A_673 : i1
        %add3A_680 = arith.addi %rem3A_671, %select_n3A_670 : i32
        %select_n3A_681 = arith.select %and3A_679, %add3A_680, %rem3A_671 : i32
        %add3A_682 = arith.addi %mul3A_665, %select_n3A_681 : i32
        %dma_start3A_683 = arith.constant 0 : i32
        %dma_start3A_684 = tpu.memref_slice %arg5[%add3A_682, %dma_start3A_683] : memref<16x128xi32, #tpu.memory_space<vmem>> -> memref<1x128xi32, #tpu.memory_space<vmem>>
        %dma_start3A_685 = tpu.memref_squeeze %dma_start3A_684 : memref<1x128xi32, #tpu.memory_space<vmem>> -> memref<128xi32, #tpu.memory_space<vmem>>
        %dma_start3A_686 = arith.constant 0 : i32
        %dma_start3A_687 = arith.constant 0 : i32
        %dma_start3A_688 = tpu.memref_slice %arg3[%dma_start3A_686, %dma_start3A_687] : memref<1000000x128xf32, #tpu.memory_space<hbm>> -> memref<1000000x128xf32, #tpu.memory_space<hbm>>
        tpu.enqueue_indirect_dma source(%dma_start3A_688 : memref<1000000x128xf32, #tpu.memory_space<hbm>>) target(%arg7 : memref<128x128xf32, #tpu.memory_space<vmem>>) offsets(%dma_start3A_685 : memref<128xi32, #tpu.memory_space<vmem>>) semaphore(%arg15 : memref<!tpu.dma_semaphore, #tpu.memory_space<semaphore_mem>>)
      } else {
      }
      %mul3A_336 = arith.constant 4 : i32
      %mul3A_337 = arith.muli %scan3A_62, %mul3A_336 : i32
      %add3A_338 = arith.constant 2 : i32
      %add3A_339 = arith.addi %mul3A_337, %add3A_338 : i32
      %jit3A_340 = arith.constant 8 : i32
      %eq3A_341 = arith.constant 0 : i32
      %eq3A_342 = arith.cmpi eq, %jit3A_340, %eq3A_341 : i32
      %jit3A_343 = arith.constant 1 : i32
      %select_n3A_344 = arith.select %eq3A_342, %jit3A_343, %jit3A_340 : i32
      %rem3A_345 = arith.remsi %add3A_339, %select_n3A_344 : i32
      %ne3A_346 = arith.constant 0 : i32
      %ne3A_347 = arith.cmpi ne, %rem3A_345, %ne3A_346 : i32
      %lt3A_348 = arith.constant 0 : i32
      %lt3A_349 = arith.cmpi slt, %rem3A_345, %lt3A_348 : i32
      %lt3A_350 = arith.constant 0 : i32
      %lt3A_351 = arith.cmpi slt, %select_n3A_344, %lt3A_350 : i32
      %ne3A_352 = arith.xori %lt3A_349, %lt3A_351 : i1
      %and3A_353 = arith.andi %ne3A_352, %ne3A_347 : i1
      %add3A_354 = arith.addi %rem3A_345, %select_n3A_344 : i32
      %select_n3A_355 = arith.select %and3A_353, %add3A_354, %rem3A_345 : i32
      %eq3A_356 = arith.constant 0 : i32
      %eq3A_357 = arith.cmpi eq, %select_n3A_355, %eq3A_356 : i32
      %jit3A_358 = arith.constant 8 : i32
      %div3A_359 = arith.divsi %add3A_339, %jit3A_358 : i32
      %sign3A_360 = arith.constant 0 : i32
      %sign3A_361 = arith.cmpi sgt, %add3A_339, %sign3A_360 : i32
      %sign3A_362 = arith.extui %sign3A_361 : i1 to i32
      %sign3A_363 = arith.constant 0 : i32
      %sign3A_364 = arith.cmpi slt, %add3A_339, %sign3A_363 : i32
      %sign3A_365 = arith.extui %sign3A_364 : i1 to i32
      %sign3A_366 = arith.subi %sign3A_362, %sign3A_365 : i32
      %sign3A_367 = arith.constant 0 : i32
      %sign3A_368 = arith.cmpi sgt, %jit3A_358, %sign3A_367 : i32
      %sign3A_369 = arith.extui %sign3A_368 : i1 to i32
      %sign3A_370 = arith.constant 0 : i32
      %sign3A_371 = arith.cmpi slt, %jit3A_358, %sign3A_370 : i32
      %sign3A_372 = arith.extui %sign3A_371 : i1 to i32
      %sign3A_373 = arith.subi %sign3A_369, %sign3A_372 : i32
      %ne3A_374 = arith.cmpi ne, %sign3A_366, %sign3A_373 : i32
      %rem3A_375 = arith.remsi %add3A_339, %jit3A_358 : i32
      %ne3A_376 = arith.constant 0 : i32
      %ne3A_377 = arith.cmpi ne, %rem3A_375, %ne3A_376 : i32
      %and3A_378 = arith.andi %ne3A_374, %ne3A_377 : i1
      %sub3A_379 = arith.constant 1 : i32
      %sub3A_380 = arith.subi %div3A_359, %sub3A_379 : i32
      %select_n3A_381 = arith.select %and3A_378, %sub3A_380, %div3A_359 : i32
      %add3A_382 = arith.constant 1 : i32
      %add3A_383 = arith.addi %select_n3A_381, %add3A_382 : i32
      %lt3A_384 = arith.constant 25 : i32
      %lt3A_385 = arith.cmpi slt, %add3A_383, %lt3A_384 : i32
      %and3A_386 = arith.andi %eq3A_357, %lt3A_385 : i1
      %convert_element_type3A_387 = arith.extui %and3A_386 : i1 to i32
      %cond3A_388 = arith.constant 0 : i32
      %cond3A_389 = arith.cmpi ne, %convert_element_type3A_387, %cond3A_388 : i32
      scf.if %cond3A_389 {
        %jit3A_622 = arith.constant 8 : i32
        %div3A_623 = arith.divsi %add3A_339, %jit3A_622 : i32
        %sign3A_624 = arith.constant 0 : i32
        %sign3A_625 = arith.cmpi sgt, %add3A_339, %sign3A_624 : i32
        %sign3A_626 = arith.extui %sign3A_625 : i1 to i32
        %sign3A_627 = arith.constant 0 : i32
        %sign3A_628 = arith.cmpi slt, %add3A_339, %sign3A_627 : i32
        %sign3A_629 = arith.extui %sign3A_628 : i1 to i32
        %sign3A_630 = arith.subi %sign3A_626, %sign3A_629 : i32
        %sign3A_631 = arith.constant 0 : i32
        %sign3A_632 = arith.cmpi sgt, %jit3A_622, %sign3A_631 : i32
        %sign3A_633 = arith.extui %sign3A_632 : i1 to i32
        %sign3A_634 = arith.constant 0 : i32
        %sign3A_635 = arith.cmpi slt, %jit3A_622, %sign3A_634 : i32
        %sign3A_636 = arith.extui %sign3A_635 : i1 to i32
        %sign3A_637 = arith.subi %sign3A_633, %sign3A_636 : i32
        %ne3A_638 = arith.cmpi ne, %sign3A_630, %sign3A_637 : i32
        %rem3A_639 = arith.remsi %add3A_339, %jit3A_622 : i32
        %ne3A_640 = arith.constant 0 : i32
        %ne3A_641 = arith.cmpi ne, %rem3A_639, %ne3A_640 : i32
        %and3A_642 = arith.andi %ne3A_638, %ne3A_641 : i1
        %sub3A_643 = arith.constant 1 : i32
        %sub3A_644 = arith.subi %div3A_623, %sub3A_643 : i32
        %select_n3A_645 = arith.select %and3A_642, %sub3A_644, %div3A_623 : i32
        %add3A_646 = arith.constant 1 : i32
        %add3A_647 = arith.addi %select_n3A_645, %add3A_646 : i32
        %jit3A_648 = arith.constant 8 : i32
        %div3A_649 = arith.divsi %add3A_339, %jit3A_648 : i32
        %sign3A_650 = arith.constant 0 : i32
        %sign3A_651 = arith.cmpi sgt, %add3A_339, %sign3A_650 : i32
        %sign3A_652 = arith.extui %sign3A_651 : i1 to i32
        %sign3A_653 = arith.constant 0 : i32
        %sign3A_654 = arith.cmpi slt, %add3A_339, %sign3A_653 : i32
        %sign3A_655 = arith.extui %sign3A_654 : i1 to i32
        %sign3A_656 = arith.subi %sign3A_652, %sign3A_655 : i32
        %sign3A_657 = arith.constant 0 : i32
        %sign3A_658 = arith.cmpi sgt, %jit3A_648, %sign3A_657 : i32
        %sign3A_659 = arith.extui %sign3A_658 : i1 to i32
        %sign3A_660 = arith.constant 0 : i32
        %sign3A_661 = arith.cmpi slt, %jit3A_648, %sign3A_660 : i32
        %sign3A_662 = arith.extui %sign3A_661 : i1 to i32
        %sign3A_663 = arith.subi %sign3A_659, %sign3A_662 : i32
        %ne3A_664 = arith.cmpi ne, %sign3A_656, %sign3A_663 : i32
        %rem3A_665 = arith.remsi %add3A_339, %jit3A_648 : i32
        %ne3A_666 = arith.constant 0 : i32
        %ne3A_667 = arith.cmpi ne, %rem3A_665, %ne3A_666 : i32
        %and3A_668 = arith.andi %ne3A_664, %ne3A_667 : i1
        %sub3A_669 = arith.constant 1 : i32
        %sub3A_670 = arith.subi %div3A_649, %sub3A_669 : i32
        %select_n3A_671 = arith.select %and3A_668, %sub3A_670, %div3A_649 : i32
        %add3A_672 = arith.constant 1 : i32
        %add3A_673 = arith.addi %select_n3A_671, %add3A_672 : i32
        %jit3A_674 = arith.constant 2 : i32
        %eq3A_675 = arith.constant 0 : i32
        %eq3A_676 = arith.cmpi eq, %jit3A_674, %eq3A_675 : i32
        %jit3A_677 = arith.constant 1 : i32
        %select_n3A_678 = arith.select %eq3A_676, %jit3A_677, %jit3A_674 : i32
        %rem3A_679 = arith.remsi %add3A_673, %select_n3A_678 : i32
        %ne3A_680 = arith.constant 0 : i32
        %ne3A_681 = arith.cmpi ne, %rem3A_679, %ne3A_680 : i32
        %lt3A_682 = arith.constant 0 : i32
        %lt3A_683 = arith.cmpi slt, %rem3A_679, %lt3A_682 : i32
        %lt3A_684 = arith.constant 0 : i32
        %lt3A_685 = arith.cmpi slt, %select_n3A_678, %lt3A_684 : i32
        %ne3A_686 = arith.xori %lt3A_683, %lt3A_685 : i1
        %and3A_687 = arith.andi %ne3A_686, %ne3A_681 : i1
        %add3A_688 = arith.addi %rem3A_679, %select_n3A_678 : i32
        %select_n3A_689 = arith.select %and3A_687, %add3A_688, %rem3A_679 : i32
        %mul3A_690 = arith.constant 8 : i32
        %mul3A_691 = arith.muli %add3A_647, %mul3A_690 : i32
        %mul3A_692 = arith.constant 8 : i32
        %mul3A_693 = arith.muli %select_n3A_689, %mul3A_692 : i32
        "tpu.region"() ({
          %run_scoped3A = tpu.sem_alloc : memref<!tpu.dma_semaphore, #tpu.memory_space<semaphore_mem>>
          %dma_start3A_694 = arith.constant 0 : i32
          %dma_start3A_695 = tpu.memref_slice %arg5[%mul3A_693, %dma_start3A_694] : memref<16x128xi32, #tpu.memory_space<vmem>> -> memref<8x128xi32, #tpu.memory_space<vmem>>
          %dma_start3A_696 = tpu.memref_slice %arg2[%mul3A_691, %mul3A_2] : memref<200x4096xi32, #tpu.memory_space<hbm>> -> memref<8x128xi32, #tpu.memory_space<hbm>>
          %dma_start3A_697 = arith.constant 0 : i32
          %dma_start3A_698 = tpu.memref_slice %arg5[%mul3A_693, %dma_start3A_697] : memref<16x128xi32, #tpu.memory_space<vmem>> -> memref<8x128xi32, #tpu.memory_space<vmem>>
          %dma_start3A_699 = tpu.memref_slice %arg2[%mul3A_691, %mul3A_2] : memref<200x4096xi32, #tpu.memory_space<hbm>> -> memref<8x128xi32, #tpu.memory_space<hbm>>
          tpu.enqueue_dma source(%dma_start3A_699 : memref<8x128xi32, #tpu.memory_space<hbm>>) target(%dma_start3A_698 : memref<8x128xi32, #tpu.memory_space<vmem>>) target_semaphore(%run_scoped3A : memref<!tpu.dma_semaphore, #tpu.memory_space<semaphore_mem>>)
          %dma_wait3A_700 = arith.constant 0 : i32
          %dma_wait3A_701 = tpu.memref_slice %arg5[%mul3A_693, %dma_wait3A_700] : memref<16x128xi32, #tpu.memory_space<vmem>> -> memref<8x128xi32, #tpu.memory_space<vmem>>
          %dma_wait3A_702 = tpu.memref_slice %arg2[%mul3A_691, %mul3A_2] : memref<200x4096xi32, #tpu.memory_space<hbm>> -> memref<8x128xi32, #tpu.memory_space<hbm>>
          %dma_wait3A_703 = arith.constant 0 : i32
          %dma_wait3A_704 = tpu.memref_slice %arg5[%mul3A_693, %dma_wait3A_703] : memref<16x128xi32, #tpu.memory_space<vmem>> -> memref<8x128xi32, #tpu.memory_space<vmem>>
          %dma_wait3A_705 = tpu.memref_slice %arg2[%mul3A_691, %mul3A_2] : memref<200x4096xi32, #tpu.memory_space<hbm>> -> memref<8x128xi32, #tpu.memory_space<hbm>>
          tpu.wait_dma2 semaphore(%run_scoped3A : memref<!tpu.dma_semaphore, #tpu.memory_space<semaphore_mem>>) src(%dma_wait3A_705 : memref<8x128xi32, #tpu.memory_space<hbm>>) dst(%dma_wait3A_704 : memref<8x128xi32, #tpu.memory_space<vmem>>)
          tpu.yield
        }) : () -> ()
      } else {
      }
      %dma_wait3A_390 = arith.constant 0 : i32
      %dma_wait3A_391 = tpu.memref_slice %arg5[%add3A_339, %dma_wait3A_390] : memref<16x128xi32, #tpu.memory_space<vmem>> -> memref<1x128xi32, #tpu.memory_space<vmem>>
      %dma_wait3A_392 = tpu.memref_squeeze %dma_wait3A_391 : memref<1x128xi32, #tpu.memory_space<vmem>> -> memref<128xi32, #tpu.memory_space<vmem>>
      %dma_wait3A_393 = arith.constant 0 : i32
      %dma_wait3A_394 = arith.constant 0 : i32
      %dma_wait3A_395 = tpu.memref_slice %arg3[%dma_wait3A_393, %dma_wait3A_394] : memref<1000000x128xf32, #tpu.memory_space<hbm>> -> memref<1000000x128xf32, #tpu.memory_space<hbm>>
      tpu.wait_indirect_dma semaphore(%arg16 : memref<!tpu.dma_semaphore, #tpu.memory_space<semaphore_mem>>) src(%dma_wait3A_395 : memref<1000000x128xf32, #tpu.memory_space<hbm>>) dst(%arg8 : memref<128x128xf32, #tpu.memory_space<vmem>>)
      %ge3A_396 = arith.constant 4 : i32
      %ge3A_397 = arith.cmpi sge, %add3A_339, %ge3A_396 : i32
      %convert_element_type3A_398 = arith.extui %ge3A_397 : i1 to i32
      %cond3A_399 = arith.constant 0 : i32
      %cond3A_400 = arith.cmpi ne, %convert_element_type3A_398, %cond3A_399 : i32
      scf.if %cond3A_400 {
        %dma_wait3A_622 = arith.constant 0 : i32
        %dma_wait3A_623 = tpu.memref_slice %arg4[%add3A_339, %dma_wait3A_622, %mul3A_2] : memref<200x64x4096xf32, #tpu.memory_space<hbm>> -> memref<1x64x128xf32, #tpu.memory_space<hbm>>
        %dma_wait3A_624 = tpu.memref_squeeze %dma_wait3A_623 : memref<1x64x128xf32, #tpu.memory_space<hbm>> -> memref<64x128xf32, #tpu.memory_space<hbm>>
        %dma_wait3A_625 = arith.constant 0 : i32
        %dma_wait3A_626 = tpu.memref_slice %arg4[%add3A_339, %dma_wait3A_625, %mul3A_2] : memref<200x64x4096xf32, #tpu.memory_space<hbm>> -> memref<1x64x128xf32, #tpu.memory_space<hbm>>
        %dma_wait3A_627 = tpu.memref_squeeze %dma_wait3A_626 : memref<1x64x128xf32, #tpu.memory_space<hbm>> -> memref<64x128xf32, #tpu.memory_space<hbm>>
        tpu.wait_dma2 semaphore(%arg20 : memref<!tpu.dma_semaphore, #tpu.memory_space<semaphore_mem>>) src(%arg12 : memref<64x128xf32, #tpu.memory_space<vmem>>) dst(%dma_wait3A_627 : memref<64x128xf32, #tpu.memory_space<hbm>>)
      } else {
      }
      %jit3A_401 = arith.constant 8 : i32
      %div3A_402 = arith.divsi %add3A_339, %jit3A_401 : i32
      %sign3A_403 = arith.constant 0 : i32
      %sign3A_404 = arith.cmpi sgt, %add3A_339, %sign3A_403 : i32
      %sign3A_405 = arith.extui %sign3A_404 : i1 to i32
      %sign3A_406 = arith.constant 0 : i32
      %sign3A_407 = arith.cmpi slt, %add3A_339, %sign3A_406 : i32
      %sign3A_408 = arith.extui %sign3A_407 : i1 to i32
      %sign3A_409 = arith.subi %sign3A_405, %sign3A_408 : i32
      %sign3A_410 = arith.constant 0 : i32
      %sign3A_411 = arith.cmpi sgt, %jit3A_401, %sign3A_410 : i32
      %sign3A_412 = arith.extui %sign3A_411 : i1 to i32
      %sign3A_413 = arith.constant 0 : i32
      %sign3A_414 = arith.cmpi slt, %jit3A_401, %sign3A_413 : i32
      %sign3A_415 = arith.extui %sign3A_414 : i1 to i32
      %sign3A_416 = arith.subi %sign3A_412, %sign3A_415 : i32
      %ne3A_417 = arith.cmpi ne, %sign3A_409, %sign3A_416 : i32
      %rem3A_418 = arith.remsi %add3A_339, %jit3A_401 : i32
      %ne3A_419 = arith.constant 0 : i32
      %ne3A_420 = arith.cmpi ne, %rem3A_418, %ne3A_419 : i32
      %and3A_421 = arith.andi %ne3A_417, %ne3A_420 : i1
      %sub3A_422 = arith.constant 1 : i32
      %sub3A_423 = arith.subi %div3A_402, %sub3A_422 : i32
      %select_n3A_424 = arith.select %and3A_421, %sub3A_423, %div3A_402 : i32
      %jit3A_425 = arith.constant 2 : i32
      %eq3A_426 = arith.constant 0 : i32
      %eq3A_427 = arith.cmpi eq, %jit3A_425, %eq3A_426 : i32
      %jit3A_428 = arith.constant 1 : i32
      %select_n3A_429 = arith.select %eq3A_427, %jit3A_428, %jit3A_425 : i32
      %rem3A_430 = arith.remsi %select_n3A_424, %select_n3A_429 : i32
      %ne3A_431 = arith.constant 0 : i32
      %ne3A_432 = arith.cmpi ne, %rem3A_430, %ne3A_431 : i32
      %lt3A_433 = arith.constant 0 : i32
      %lt3A_434 = arith.cmpi slt, %rem3A_430, %lt3A_433 : i32
      %lt3A_435 = arith.constant 0 : i32
      %lt3A_436 = arith.cmpi slt, %select_n3A_429, %lt3A_435 : i32
      %ne3A_437 = arith.xori %lt3A_434, %lt3A_436 : i1
      %and3A_438 = arith.andi %ne3A_437, %ne3A_432 : i1
      %add3A_439 = arith.addi %rem3A_430, %select_n3A_429 : i32
      %select_n3A_440 = arith.select %and3A_438, %add3A_439, %rem3A_430 : i32
      %mul3A_441 = arith.constant 8 : i32
      %mul3A_442 = arith.muli %select_n3A_440, %mul3A_441 : i32
      %jit3A_443 = arith.constant 8 : i32
      %eq3A_444 = arith.constant 0 : i32
      %eq3A_445 = arith.cmpi eq, %jit3A_443, %eq3A_444 : i32
      %jit3A_446 = arith.constant 1 : i32
      %select_n3A_447 = arith.select %eq3A_445, %jit3A_446, %jit3A_443 : i32
      %rem3A_448 = arith.remsi %add3A_339, %select_n3A_447 : i32
      %ne3A_449 = arith.constant 0 : i32
      %ne3A_450 = arith.cmpi ne, %rem3A_448, %ne3A_449 : i32
      %lt3A_451 = arith.constant 0 : i32
      %lt3A_452 = arith.cmpi slt, %rem3A_448, %lt3A_451 : i32
      %lt3A_453 = arith.constant 0 : i32
      %lt3A_454 = arith.cmpi slt, %select_n3A_447, %lt3A_453 : i32
      %ne3A_455 = arith.xori %lt3A_452, %lt3A_454 : i1
      %and3A_456 = arith.andi %ne3A_455, %ne3A_450 : i1
      %add3A_457 = arith.addi %rem3A_448, %select_n3A_447 : i32
      %select_n3A_458 = arith.select %and3A_456, %add3A_457, %rem3A_448 : i32
      %add3A_459 = arith.addi %mul3A_442, %select_n3A_458 : i32
      %scan3A_460 = arith.constant 0 : i32
      %scan3A_461 = arith.constant 0 : i32
      %scan3A_462 = arith.constant 8 : i32
      %scan3A_463 = arith.addi %scan3A_461, %scan3A_462 : i32
      %scan3A_464 = arith.constant 1 : i32
      scf.for %scan3A_622 = %scan3A_461 to %scan3A_463 step %scan3A_464  : i32 {
        %mul3A_623 = arith.constant 16 : i32
        %mul3A_624 = arith.muli %scan3A_622, %mul3A_623 : i32
        %get3A = arith.index_cast %add3A_459 : i32 to index
        %get3A_625 = arith.index_cast %mul3A_624 : i32 to index
        %get3A_626 = tpu.vector_load %arg5[%get3A, %get3A_625] {strides = array<i32>} : memref<16x128xi32, #tpu.memory_space<vmem>>, vector<16xi32>,
        %eq3A_627 = arith.constant 0 : i32
        %eq3A_628 = vector.broadcast %eq3A_627 : i32 to vector<16xi32>
        %eq3A_629 = arith.cmpi eq, %get3A_626, %eq3A_628 : vector<16xi32>
        %jit3A_630 = arith.constant 0.000000e+00 : f32
        %jit3A_631 = arith.constant 8.000000e+00 : f32
        %broadcast_in_dim3A = vector.broadcast %jit3A_630 : f32 to vector<16xf32>
        %broadcast_in_dim3A_632 = vector.broadcast %jit3A_631 : f32 to vector<16xf32>
        %select_n3A_633 = arith.select %eq3A_629, %broadcast_in_dim3A, %broadcast_in_dim3A_632 : vector<16xi1>, vector<16xf32>
        %iota3A = tpu.iota {dimensions = array<i32: 0>} : vector<16xi32>
        %mul3A_634 = arith.constant 16 : i32
        %mul3A_635 = arith.muli %scan3A_622, %mul3A_634 : i32
        %add3A_636 = vector.broadcast %mul3A_635 : i32 to vector<16xi32>
        %add3A_637 = arith.addi %add3A_636, %iota3A : vector<16xi32>
        %parallel_loop3A = arith.constant 0 : i32
        %parallel_loop3A_638 = arith.constant 64 : i32
        %parallel_loop3A_639 = arith.constant 1 : i32
        scf.for %parallel_loop3A_640 = %parallel_loop3A to %parallel_loop3A_638 step %parallel_loop3A_639  : i32 {
          %parallel_loop3A_641 = vector.broadcast %parallel_loop3A_640 : i32 to vector<16xi32>
          %parallel_loop3A_642 = arith.addi %iota3A, %parallel_loop3A_641 : vector<16xi32>
          %parallel_loop3A_643 = arith.constant 63 : i32
          %parallel_loop3A_644 = vector.broadcast %parallel_loop3A_643 : i32 to vector<16xi32>
          %parallel_loop3A_645 = arith.andi %parallel_loop3A_642, %parallel_loop3A_644 : vector<16xi32>
          %parallel_loop3A_646 = tpu.vector_load_idx %arg8[%add3A_637, %parallel_loop3A_645] : memref<128x128xf32, #tpu.memory_space<vmem>>[vector<16xi32>, vector<16xi32>], vector<16xf32>,
          %parallel_loop3A_647 = arith.mulf %parallel_loop3A_646, %select_n3A_633 : vector<16xf32>
          tpu.vector_store_idx %arg12[%parallel_loop3A_645, %add3A_637], %parallel_loop3A_647 : memref<64x128xf32, #tpu.memory_space<vmem>>[vector<16xi32>, vector<16xi32>], vector<16xf32>,
        } {sc.loop_unroll_factor = 8 : i64, sc.parallel_access}
      }
      %scan3A_465 = arith.constant 8 : i32
      %dma_start3A_466 = arith.constant 0 : i32
      %dma_start3A_467 = tpu.memref_slice %arg4[%add3A_339, %dma_start3A_466, %mul3A_2] : memref<200x64x4096xf32, #tpu.memory_space<hbm>> -> memref<1x64x128xf32, #tpu.memory_space<hbm>>
      %dma_start3A_468 = tpu.memref_squeeze %dma_start3A_467 : memref<1x64x128xf32, #tpu.memory_space<hbm>> -> memref<64x128xf32, #tpu.memory_space<hbm>>
      %dma_start3A_469 = arith.constant 0 : i32
      %dma_start3A_470 = tpu.memref_slice %arg4[%add3A_339, %dma_start3A_469, %mul3A_2] : memref<200x64x4096xf32, #tpu.memory_space<hbm>> -> memref<1x64x128xf32, #tpu.memory_space<hbm>>
      %dma_start3A_471 = tpu.memref_squeeze %dma_start3A_470 : memref<1x64x128xf32, #tpu.memory_space<hbm>> -> memref<64x128xf32, #tpu.memory_space<hbm>>
      tpu.enqueue_dma source(%arg12 : memref<64x128xf32, #tpu.memory_space<vmem>>) target(%dma_start3A_471 : memref<64x128xf32, #tpu.memory_space<hbm>>) target_semaphore(%arg20 : memref<!tpu.dma_semaphore, #tpu.memory_space<semaphore_mem>>)
      %add3A_472 = arith.constant 4 : i32
      %add3A_473 = arith.addi %add3A_339, %add3A_472 : i32
      %lt3A_474 = arith.constant 200 : i32
      %lt3A_475 = arith.cmpi slt, %add3A_473, %lt3A_474 : i32
      %convert_element_type3A_476 = arith.extui %lt3A_475 : i1 to i32
      %cond3A_477 = arith.constant 0 : i32
      %cond3A_478 = arith.cmpi ne, %convert_element_type3A_476, %cond3A_477 : i32
      scf.if %cond3A_478 {
        %add3A_622 = arith.constant 4 : i32
        %add3A_623 = arith.addi %add3A_339, %add3A_622 : i32
        %jit3A_624 = arith.constant 8 : i32
        %div3A_625 = arith.divsi %add3A_623, %jit3A_624 : i32
        %sign3A_626 = arith.constant 0 : i32
        %sign3A_627 = arith.cmpi sgt, %add3A_623, %sign3A_626 : i32
        %sign3A_628 = arith.extui %sign3A_627 : i1 to i32
        %sign3A_629 = arith.constant 0 : i32
        %sign3A_630 = arith.cmpi slt, %add3A_623, %sign3A_629 : i32
        %sign3A_631 = arith.extui %sign3A_630 : i1 to i32
        %sign3A_632 = arith.subi %sign3A_628, %sign3A_631 : i32
        %sign3A_633 = arith.constant 0 : i32
        %sign3A_634 = arith.cmpi sgt, %jit3A_624, %sign3A_633 : i32
        %sign3A_635 = arith.extui %sign3A_634 : i1 to i32
        %sign3A_636 = arith.constant 0 : i32
        %sign3A_637 = arith.cmpi slt, %jit3A_624, %sign3A_636 : i32
        %sign3A_638 = arith.extui %sign3A_637 : i1 to i32
        %sign3A_639 = arith.subi %sign3A_635, %sign3A_638 : i32
        %ne3A_640 = arith.cmpi ne, %sign3A_632, %sign3A_639 : i32
        %rem3A_641 = arith.remsi %add3A_623, %jit3A_624 : i32
        %ne3A_642 = arith.constant 0 : i32
        %ne3A_643 = arith.cmpi ne, %rem3A_641, %ne3A_642 : i32
        %and3A_644 = arith.andi %ne3A_640, %ne3A_643 : i1
        %sub3A_645 = arith.constant 1 : i32
        %sub3A_646 = arith.subi %div3A_625, %sub3A_645 : i32
        %select_n3A_647 = arith.select %and3A_644, %sub3A_646, %div3A_625 : i32
        %jit3A_648 = arith.constant 2 : i32
        %eq3A_649 = arith.constant 0 : i32
        %eq3A_650 = arith.cmpi eq, %jit3A_648, %eq3A_649 : i32
        %jit3A_651 = arith.constant 1 : i32
        %select_n3A_652 = arith.select %eq3A_650, %jit3A_651, %jit3A_648 : i32
        %rem3A_653 = arith.remsi %select_n3A_647, %select_n3A_652 : i32
        %ne3A_654 = arith.constant 0 : i32
        %ne3A_655 = arith.cmpi ne, %rem3A_653, %ne3A_654 : i32
        %lt3A_656 = arith.constant 0 : i32
        %lt3A_657 = arith.cmpi slt, %rem3A_653, %lt3A_656 : i32
        %lt3A_658 = arith.constant 0 : i32
        %lt3A_659 = arith.cmpi slt, %select_n3A_652, %lt3A_658 : i32
        %ne3A_660 = arith.xori %lt3A_657, %lt3A_659 : i1
        %and3A_661 = arith.andi %ne3A_660, %ne3A_655 : i1
        %add3A_662 = arith.addi %rem3A_653, %select_n3A_652 : i32
        %select_n3A_663 = arith.select %and3A_661, %add3A_662, %rem3A_653 : i32
        %mul3A_664 = arith.constant 8 : i32
        %mul3A_665 = arith.muli %select_n3A_663, %mul3A_664 : i32
        %jit3A_666 = arith.constant 8 : i32
        %eq3A_667 = arith.constant 0 : i32
        %eq3A_668 = arith.cmpi eq, %jit3A_666, %eq3A_667 : i32
        %jit3A_669 = arith.constant 1 : i32
        %select_n3A_670 = arith.select %eq3A_668, %jit3A_669, %jit3A_666 : i32
        %rem3A_671 = arith.remsi %add3A_623, %select_n3A_670 : i32
        %ne3A_672 = arith.constant 0 : i32
        %ne3A_673 = arith.cmpi ne, %rem3A_671, %ne3A_672 : i32
        %lt3A_674 = arith.constant 0 : i32
        %lt3A_675 = arith.cmpi slt, %rem3A_671, %lt3A_674 : i32
        %lt3A_676 = arith.constant 0 : i32
        %lt3A_677 = arith.cmpi slt, %select_n3A_670, %lt3A_676 : i32
        %ne3A_678 = arith.xori %lt3A_675, %lt3A_677 : i1
        %and3A_679 = arith.andi %ne3A_678, %ne3A_673 : i1
        %add3A_680 = arith.addi %rem3A_671, %select_n3A_670 : i32
        %select_n3A_681 = arith.select %and3A_679, %add3A_680, %rem3A_671 : i32
        %add3A_682 = arith.addi %mul3A_665, %select_n3A_681 : i32
        %dma_start3A_683 = arith.constant 0 : i32
        %dma_start3A_684 = tpu.memref_slice %arg5[%add3A_682, %dma_start3A_683] : memref<16x128xi32, #tpu.memory_space<vmem>> -> memref<1x128xi32, #tpu.memory_space<vmem>>
        %dma_start3A_685 = tpu.memref_squeeze %dma_start3A_684 : memref<1x128xi32, #tpu.memory_space<vmem>> -> memref<128xi32, #tpu.memory_space<vmem>>
        %dma_start3A_686 = arith.constant 0 : i32
        %dma_start3A_687 = arith.constant 0 : i32
        %dma_start3A_688 = tpu.memref_slice %arg3[%dma_start3A_686, %dma_start3A_687] : memref<1000000x128xf32, #tpu.memory_space<hbm>> -> memref<1000000x128xf32, #tpu.memory_space<hbm>>
        tpu.enqueue_indirect_dma source(%dma_start3A_688 : memref<1000000x128xf32, #tpu.memory_space<hbm>>) target(%arg8 : memref<128x128xf32, #tpu.memory_space<vmem>>) offsets(%dma_start3A_685 : memref<128xi32, #tpu.memory_space<vmem>>) semaphore(%arg16 : memref<!tpu.dma_semaphore, #tpu.memory_space<semaphore_mem>>)
      } else {
      }
      %mul3A_479 = arith.constant 4 : i32
      %mul3A_480 = arith.muli %scan3A_62, %mul3A_479 : i32
      %add3A_481 = arith.constant 3 : i32
      %add3A_482 = arith.addi %mul3A_480, %add3A_481 : i32
      %jit3A_483 = arith.constant 8 : i32
      %eq3A_484 = arith.constant 0 : i32
      %eq3A_485 = arith.cmpi eq, %jit3A_483, %eq3A_484 : i32
      %jit3A_486 = arith.constant 1 : i32
      %select_n3A_487 = arith.select %eq3A_485, %jit3A_486, %jit3A_483 : i32
      %rem3A_488 = arith.remsi %add3A_482, %select_n3A_487 : i32
      %ne3A_489 = arith.constant 0 : i32
      %ne3A_490 = arith.cmpi ne, %rem3A_488, %ne3A_489 : i32
      %lt3A_491 = arith.constant 0 : i32
      %lt3A_492 = arith.cmpi slt, %rem3A_488, %lt3A_491 : i32
      %lt3A_493 = arith.constant 0 : i32
      %lt3A_494 = arith.cmpi slt, %select_n3A_487, %lt3A_493 : i32
      %ne3A_495 = arith.xori %lt3A_492, %lt3A_494 : i1
      %and3A_496 = arith.andi %ne3A_495, %ne3A_490 : i1
      %add3A_497 = arith.addi %rem3A_488, %select_n3A_487 : i32
      %select_n3A_498 = arith.select %and3A_496, %add3A_497, %rem3A_488 : i32
      %eq3A_499 = arith.constant 0 : i32
      %eq3A_500 = arith.cmpi eq, %select_n3A_498, %eq3A_499 : i32
      %jit3A_501 = arith.constant 8 : i32
      %div3A_502 = arith.divsi %add3A_482, %jit3A_501 : i32
      %sign3A_503 = arith.constant 0 : i32
      %sign3A_504 = arith.cmpi sgt, %add3A_482, %sign3A_503 : i32
      %sign3A_505 = arith.extui %sign3A_504 : i1 to i32
      %sign3A_506 = arith.constant 0 : i32
      %sign3A_507 = arith.cmpi slt, %add3A_482, %sign3A_506 : i32
      %sign3A_508 = arith.extui %sign3A_507 : i1 to i32
      %sign3A_509 = arith.subi %sign3A_505, %sign3A_508 : i32
      %sign3A_510 = arith.constant 0 : i32
      %sign3A_511 = arith.cmpi sgt, %jit3A_501, %sign3A_510 : i32
      %sign3A_512 = arith.extui %sign3A_511 : i1 to i32
      %sign3A_513 = arith.constant 0 : i32
      %sign3A_514 = arith.cmpi slt, %jit3A_501, %sign3A_513 : i32
      %sign3A_515 = arith.extui %sign3A_514 : i1 to i32
      %sign3A_516 = arith.subi %sign3A_512, %sign3A_515 : i32
      %ne3A_517 = arith.cmpi ne, %sign3A_509, %sign3A_516 : i32
      %rem3A_518 = arith.remsi %add3A_482, %jit3A_501 : i32
      %ne3A_519 = arith.constant 0 : i32
      %ne3A_520 = arith.cmpi ne, %rem3A_518, %ne3A_519 : i32
      %and3A_521 = arith.andi %ne3A_517, %ne3A_520 : i1
      %sub3A_522 = arith.constant 1 : i32
      %sub3A_523 = arith.subi %div3A_502, %sub3A_522 : i32
      %select_n3A_524 = arith.select %and3A_521, %sub3A_523, %div3A_502 : i32
      %add3A_525 = arith.constant 1 : i32
      %add3A_526 = arith.addi %select_n3A_524, %add3A_525 : i32
      %lt3A_527 = arith.constant 25 : i32
      %lt3A_528 = arith.cmpi slt, %add3A_526, %lt3A_527 : i32
      %and3A_529 = arith.andi %eq3A_500, %lt3A_528 : i1
      %convert_element_type3A_530 = arith.extui %and3A_529 : i1 to i32
      %cond3A_531 = arith.constant 0 : i32
      %cond3A_532 = arith.cmpi ne, %convert_element_type3A_530, %cond3A_531 : i32
      scf.if %cond3A_532 {
        %jit3A_622 = arith.constant 8 : i32
        %div3A_623 = arith.divsi %add3A_482, %jit3A_622 : i32
        %sign3A_624 = arith.constant 0 : i32
        %sign3A_625 = arith.cmpi sgt, %add3A_482, %sign3A_624 : i32
        %sign3A_626 = arith.extui %sign3A_625 : i1 to i32
        %sign3A_627 = arith.constant 0 : i32
        %sign3A_628 = arith.cmpi slt, %add3A_482, %sign3A_627 : i32
        %sign3A_629 = arith.extui %sign3A_628 : i1 to i32
        %sign3A_630 = arith.subi %sign3A_626, %sign3A_629 : i32
        %sign3A_631 = arith.constant 0 : i32
        %sign3A_632 = arith.cmpi sgt, %jit3A_622, %sign3A_631 : i32
        %sign3A_633 = arith.extui %sign3A_632 : i1 to i32
        %sign3A_634 = arith.constant 0 : i32
        %sign3A_635 = arith.cmpi slt, %jit3A_622, %sign3A_634 : i32
        %sign3A_636 = arith.extui %sign3A_635 : i1 to i32
        %sign3A_637 = arith.subi %sign3A_633, %sign3A_636 : i32
        %ne3A_638 = arith.cmpi ne, %sign3A_630, %sign3A_637 : i32
        %rem3A_639 = arith.remsi %add3A_482, %jit3A_622 : i32
        %ne3A_640 = arith.constant 0 : i32
        %ne3A_641 = arith.cmpi ne, %rem3A_639, %ne3A_640 : i32
        %and3A_642 = arith.andi %ne3A_638, %ne3A_641 : i1
        %sub3A_643 = arith.constant 1 : i32
        %sub3A_644 = arith.subi %div3A_623, %sub3A_643 : i32
        %select_n3A_645 = arith.select %and3A_642, %sub3A_644, %div3A_623 : i32
        %add3A_646 = arith.constant 1 : i32
        %add3A_647 = arith.addi %select_n3A_645, %add3A_646 : i32
        %jit3A_648 = arith.constant 8 : i32
        %div3A_649 = arith.divsi %add3A_482, %jit3A_648 : i32
        %sign3A_650 = arith.constant 0 : i32
        %sign3A_651 = arith.cmpi sgt, %add3A_482, %sign3A_650 : i32
        %sign3A_652 = arith.extui %sign3A_651 : i1 to i32
        %sign3A_653 = arith.constant 0 : i32
        %sign3A_654 = arith.cmpi slt, %add3A_482, %sign3A_653 : i32
        %sign3A_655 = arith.extui %sign3A_654 : i1 to i32
        %sign3A_656 = arith.subi %sign3A_652, %sign3A_655 : i32
        %sign3A_657 = arith.constant 0 : i32
        %sign3A_658 = arith.cmpi sgt, %jit3A_648, %sign3A_657 : i32
        %sign3A_659 = arith.extui %sign3A_658 : i1 to i32
        %sign3A_660 = arith.constant 0 : i32
        %sign3A_661 = arith.cmpi slt, %jit3A_648, %sign3A_660 : i32
        %sign3A_662 = arith.extui %sign3A_661 : i1 to i32
        %sign3A_663 = arith.subi %sign3A_659, %sign3A_662 : i32
        %ne3A_664 = arith.cmpi ne, %sign3A_656, %sign3A_663 : i32
        %rem3A_665 = arith.remsi %add3A_482, %jit3A_648 : i32
        %ne3A_666 = arith.constant 0 : i32
        %ne3A_667 = arith.cmpi ne, %rem3A_665, %ne3A_666 : i32
        %and3A_668 = arith.andi %ne3A_664, %ne3A_667 : i1
        %sub3A_669 = arith.constant 1 : i32
        %sub3A_670 = arith.subi %div3A_649, %sub3A_669 : i32
        %select_n3A_671 = arith.select %and3A_668, %sub3A_670, %div3A_649 : i32
        %add3A_672 = arith.constant 1 : i32
        %add3A_673 = arith.addi %select_n3A_671, %add3A_672 : i32
        %jit3A_674 = arith.constant 2 : i32
        %eq3A_675 = arith.constant 0 : i32
        %eq3A_676 = arith.cmpi eq, %jit3A_674, %eq3A_675 : i32
        %jit3A_677 = arith.constant 1 : i32
        %select_n3A_678 = arith.select %eq3A_676, %jit3A_677, %jit3A_674 : i32
        %rem3A_679 = arith.remsi %add3A_673, %select_n3A_678 : i32
        %ne3A_680 = arith.constant 0 : i32
        %ne3A_681 = arith.cmpi ne, %rem3A_679, %ne3A_680 : i32
        %lt3A_682 = arith.constant 0 : i32
        %lt3A_683 = arith.cmpi slt, %rem3A_679, %lt3A_682 : i32
        %lt3A_684 = arith.constant 0 : i32
        %lt3A_685 = arith.cmpi slt, %select_n3A_678, %lt3A_684 : i32
        %ne3A_686 = arith.xori %lt3A_683, %lt3A_685 : i1
        %and3A_687 = arith.andi %ne3A_686, %ne3A_681 : i1
        %add3A_688 = arith.addi %rem3A_679, %select_n3A_678 : i32
        %select_n3A_689 = arith.select %and3A_687, %add3A_688, %rem3A_679 : i32
        %mul3A_690 = arith.constant 8 : i32
        %mul3A_691 = arith.muli %add3A_647, %mul3A_690 : i32
        %mul3A_692 = arith.constant 8 : i32
        %mul3A_693 = arith.muli %select_n3A_689, %mul3A_692 : i32
        "tpu.region"() ({
          %run_scoped3A = tpu.sem_alloc : memref<!tpu.dma_semaphore, #tpu.memory_space<semaphore_mem>>
          %dma_start3A_694 = arith.constant 0 : i32
          %dma_start3A_695 = tpu.memref_slice %arg5[%mul3A_693, %dma_start3A_694] : memref<16x128xi32, #tpu.memory_space<vmem>> -> memref<8x128xi32, #tpu.memory_space<vmem>>
          %dma_start3A_696 = tpu.memref_slice %arg2[%mul3A_691, %mul3A_2] : memref<200x4096xi32, #tpu.memory_space<hbm>> -> memref<8x128xi32, #tpu.memory_space<hbm>>
          %dma_start3A_697 = arith.constant 0 : i32
          %dma_start3A_698 = tpu.memref_slice %arg5[%mul3A_693, %dma_start3A_697] : memref<16x128xi32, #tpu.memory_space<vmem>> -> memref<8x128xi32, #tpu.memory_space<vmem>>
          %dma_start3A_699 = tpu.memref_slice %arg2[%mul3A_691, %mul3A_2] : memref<200x4096xi32, #tpu.memory_space<hbm>> -> memref<8x128xi32, #tpu.memory_space<hbm>>
          tpu.enqueue_dma source(%dma_start3A_699 : memref<8x128xi32, #tpu.memory_space<hbm>>) target(%dma_start3A_698 : memref<8x128xi32, #tpu.memory_space<vmem>>) target_semaphore(%run_scoped3A : memref<!tpu.dma_semaphore, #tpu.memory_space<semaphore_mem>>)
          %dma_wait3A_700 = arith.constant 0 : i32
          %dma_wait3A_701 = tpu.memref_slice %arg5[%mul3A_693, %dma_wait3A_700] : memref<16x128xi32, #tpu.memory_space<vmem>> -> memref<8x128xi32, #tpu.memory_space<vmem>>
          %dma_wait3A_702 = tpu.memref_slice %arg2[%mul3A_691, %mul3A_2] : memref<200x4096xi32, #tpu.memory_space<hbm>> -> memref<8x128xi32, #tpu.memory_space<hbm>>
          %dma_wait3A_703 = arith.constant 0 : i32
          %dma_wait3A_704 = tpu.memref_slice %arg5[%mul3A_693, %dma_wait3A_703] : memref<16x128xi32, #tpu.memory_space<vmem>> -> memref<8x128xi32, #tpu.memory_space<vmem>>
          %dma_wait3A_705 = tpu.memref_slice %arg2[%mul3A_691, %mul3A_2] : memref<200x4096xi32, #tpu.memory_space<hbm>> -> memref<8x128xi32, #tpu.memory_space<hbm>>
          tpu.wait_dma2 semaphore(%run_scoped3A : memref<!tpu.dma_semaphore, #tpu.memory_space<semaphore_mem>>) src(%dma_wait3A_705 : memref<8x128xi32, #tpu.memory_space<hbm>>) dst(%dma_wait3A_704 : memref<8x128xi32, #tpu.memory_space<vmem>>)
          tpu.yield
        }) : () -> ()
      } else {
      }
      %dma_wait3A_533 = arith.constant 0 : i32
      %dma_wait3A_534 = tpu.memref_slice %arg5[%add3A_482, %dma_wait3A_533] : memref<16x128xi32, #tpu.memory_space<vmem>> -> memref<1x128xi32, #tpu.memory_space<vmem>>
      %dma_wait3A_535 = tpu.memref_squeeze %dma_wait3A_534 : memref<1x128xi32, #tpu.memory_space<vmem>> -> memref<128xi32, #tpu.memory_space<vmem>>
      %dma_wait3A_536 = arith.constant 0 : i32
      %dma_wait3A_537 = arith.constant 0 : i32
      %dma_wait3A_538 = tpu.memref_slice %arg3[%dma_wait3A_536, %dma_wait3A_537] : memref<1000000x128xf32, #tpu.memory_space<hbm>> -> memref<1000000x128xf32, #tpu.memory_space<hbm>>
      tpu.wait_indirect_dma semaphore(%arg17 : memref<!tpu.dma_semaphore, #tpu.memory_space<semaphore_mem>>) src(%dma_wait3A_538 : memref<1000000x128xf32, #tpu.memory_space<hbm>>) dst(%arg9 : memref<128x128xf32, #tpu.memory_space<vmem>>)
      %ge3A_539 = arith.constant 4 : i32
      %ge3A_540 = arith.cmpi sge, %add3A_482, %ge3A_539 : i32
      %convert_element_type3A_541 = arith.extui %ge3A_540 : i1 to i32
      %cond3A_542 = arith.constant 0 : i32
      %cond3A_543 = arith.cmpi ne, %convert_element_type3A_541, %cond3A_542 : i32
      scf.if %cond3A_543 {
        %dma_wait3A_622 = arith.constant 0 : i32
        %dma_wait3A_623 = tpu.memref_slice %arg4[%add3A_482, %dma_wait3A_622, %mul3A_2] : memref<200x64x4096xf32, #tpu.memory_space<hbm>> -> memref<1x64x128xf32, #tpu.memory_space<hbm>>
        %dma_wait3A_624 = tpu.memref_squeeze %dma_wait3A_623 : memref<1x64x128xf32, #tpu.memory_space<hbm>> -> memref<64x128xf32, #tpu.memory_space<hbm>>
        %dma_wait3A_625 = arith.constant 0 : i32
        %dma_wait3A_626 = tpu.memref_slice %arg4[%add3A_482, %dma_wait3A_625, %mul3A_2] : memref<200x64x4096xf32, #tpu.memory_space<hbm>> -> memref<1x64x128xf32, #tpu.memory_space<hbm>>
        %dma_wait3A_627 = tpu.memref_squeeze %dma_wait3A_626 : memref<1x64x128xf32, #tpu.memory_space<hbm>> -> memref<64x128xf32, #tpu.memory_space<hbm>>
        tpu.wait_dma2 semaphore(%arg21 : memref<!tpu.dma_semaphore, #tpu.memory_space<semaphore_mem>>) src(%arg13 : memref<64x128xf32, #tpu.memory_space<vmem>>) dst(%dma_wait3A_627 : memref<64x128xf32, #tpu.memory_space<hbm>>)
      } else {
      }
      %jit3A_544 = arith.constant 8 : i32
      %div3A_545 = arith.divsi %add3A_482, %jit3A_544 : i32
      %sign3A_546 = arith.constant 0 : i32
      %sign3A_547 = arith.cmpi sgt, %add3A_482, %sign3A_546 : i32
      %sign3A_548 = arith.extui %sign3A_547 : i1 to i32
      %sign3A_549 = arith.constant 0 : i32
      %sign3A_550 = arith.cmpi slt, %add3A_482, %sign3A_549 : i32
      %sign3A_551 = arith.extui %sign3A_550 : i1 to i32
      %sign3A_552 = arith.subi %sign3A_548, %sign3A_551 : i32
      %sign3A_553 = arith.constant 0 : i32
      %sign3A_554 = arith.cmpi sgt, %jit3A_544, %sign3A_553 : i32
      %sign3A_555 = arith.extui %sign3A_554 : i1 to i32
      %sign3A_556 = arith.constant 0 : i32
      %sign3A_557 = arith.cmpi slt, %jit3A_544, %sign3A_556 : i32
      %sign3A_558 = arith.extui %sign3A_557 : i1 to i32
      %sign3A_559 = arith.subi %sign3A_555, %sign3A_558 : i32
      %ne3A_560 = arith.cmpi ne, %sign3A_552, %sign3A_559 : i32
      %rem3A_561 = arith.remsi %add3A_482, %jit3A_544 : i32
      %ne3A_562 = arith.constant 0 : i32
      %ne3A_563 = arith.cmpi ne, %rem3A_561, %ne3A_562 : i32
      %and3A_564 = arith.andi %ne3A_560, %ne3A_563 : i1
      %sub3A_565 = arith.constant 1 : i32
      %sub3A_566 = arith.subi %div3A_545, %sub3A_565 : i32
      %select_n3A_567 = arith.select %and3A_564, %sub3A_566, %div3A_545 : i32
      %jit3A_568 = arith.constant 2 : i32
      %eq3A_569 = arith.constant 0 : i32
      %eq3A_570 = arith.cmpi eq, %jit3A_568, %eq3A_569 : i32
      %jit3A_571 = arith.constant 1 : i32
      %select_n3A_572 = arith.select %eq3A_570, %jit3A_571, %jit3A_568 : i32
      %rem3A_573 = arith.remsi %select_n3A_567, %select_n3A_572 : i32
      %ne3A_574 = arith.constant 0 : i32
      %ne3A_575 = arith.cmpi ne, %rem3A_573, %ne3A_574 : i32
      %lt3A_576 = arith.constant 0 : i32
      %lt3A_577 = arith.cmpi slt, %rem3A_573, %lt3A_576 : i32
      %lt3A_578 = arith.constant 0 : i32
      %lt3A_579 = arith.cmpi slt, %select_n3A_572, %lt3A_578 : i32
      %ne3A_580 = arith.xori %lt3A_577, %lt3A_579 : i1
      %and3A_581 = arith.andi %ne3A_580, %ne3A_575 : i1
      %add3A_582 = arith.addi %rem3A_573, %select_n3A_572 : i32
      %select_n3A_583 = arith.select %and3A_581, %add3A_582, %rem3A_573 : i32
      %mul3A_584 = arith.constant 8 : i32
      %mul3A_585 = arith.muli %select_n3A_583, %mul3A_584 : i32
      %jit3A_586 = arith.constant 8 : i32
      %eq3A_587 = arith.constant 0 : i32
      %eq3A_588 = arith.cmpi eq, %jit3A_586, %eq3A_587 : i32
      %jit3A_589 = arith.constant 1 : i32
      %select_n3A_590 = arith.select %eq3A_588, %jit3A_589, %jit3A_586 : i32
      %rem3A_591 = arith.remsi %add3A_482, %select_n3A_590 : i32
      %ne3A_592 = arith.constant 0 : i32
      %ne3A_593 = arith.cmpi ne, %rem3A_591, %ne3A_592 : i32
      %lt3A_594 = arith.constant 0 : i32
      %lt3A_595 = arith.cmpi slt, %rem3A_591, %lt3A_594 : i32
      %lt3A_596 = arith.constant 0 : i32
      %lt3A_597 = arith.cmpi slt, %select_n3A_590, %lt3A_596 : i32
      %ne3A_598 = arith.xori %lt3A_595, %lt3A_597 : i1
      %and3A_599 = arith.andi %ne3A_598, %ne3A_593 : i1
      %add3A_600 = arith.addi %rem3A_591, %select_n3A_590 : i32
      %select_n3A_601 = arith.select %and3A_599, %add3A_600, %rem3A_591 : i32
      %add3A_602 = arith.addi %mul3A_585, %select_n3A_601 : i32
      %scan3A_603 = arith.constant 0 : i32
      %scan3A_604 = arith.constant 0 : i32
      %scan3A_605 = arith.constant 8 : i32
      %scan3A_606 = arith.addi %scan3A_604, %scan3A_605 : i32
      %scan3A_607 = arith.constant 1 : i32
      scf.for %scan3A_622 = %scan3A_604 to %scan3A_606 step %scan3A_607  : i32 {
        %mul3A_623 = arith.constant 16 : i32
        %mul3A_624 = arith.muli %scan3A_622, %mul3A_623 : i32
        %get3A = arith.index_cast %add3A_602 : i32 to index
        %get3A_625 = arith.index_cast %mul3A_624 : i32 to index
        %get3A_626 = tpu.vector_load %arg5[%get3A, %get3A_625] {strides = array<i32>} : memref<16x128xi32, #tpu.memory_space<vmem>>, vector<16xi32>,
        %eq3A_627 = arith.constant 0 : i32
        %eq3A_628 = vector.broadcast %eq3A_627 : i32 to vector<16xi32>
        %eq3A_629 = arith.cmpi eq, %get3A_626, %eq3A_628 : vector<16xi32>
        %jit3A_630 = arith.constant 0.000000e+00 : f32
        %jit3A_631 = arith.constant 8.000000e+00 : f32
        %broadcast_in_dim3A = vector.broadcast %jit3A_630 : f32 to vector<16xf32>
        %broadcast_in_dim3A_632 = vector.broadcast %jit3A_631 : f32 to vector<16xf32>
        %select_n3A_633 = arith.select %eq3A_629, %broadcast_in_dim3A, %broadcast_in_dim3A_632 : vector<16xi1>, vector<16xf32>
        %iota3A = tpu.iota {dimensions = array<i32: 0>} : vector<16xi32>
        %mul3A_634 = arith.constant 16 : i32
        %mul3A_635 = arith.muli %scan3A_622, %mul3A_634 : i32
        %add3A_636 = vector.broadcast %mul3A_635 : i32 to vector<16xi32>
        %add3A_637 = arith.addi %add3A_636, %iota3A : vector<16xi32>
        %parallel_loop3A = arith.constant 0 : i32
        %parallel_loop3A_638 = arith.constant 64 : i32
        %parallel_loop3A_639 = arith.constant 1 : i32
        scf.for %parallel_loop3A_640 = %parallel_loop3A to %parallel_loop3A_638 step %parallel_loop3A_639  : i32 {
          %parallel_loop3A_641 = vector.broadcast %parallel_loop3A_640 : i32 to vector<16xi32>
          %parallel_loop3A_642 = arith.addi %iota3A, %parallel_loop3A_641 : vector<16xi32>
          %parallel_loop3A_643 = arith.constant 63 : i32
          %parallel_loop3A_644 = vector.broadcast %parallel_loop3A_643 : i32 to vector<16xi32>
          %parallel_loop3A_645 = arith.andi %parallel_loop3A_642, %parallel_loop3A_644 : vector<16xi32>
          %parallel_loop3A_646 = tpu.vector_load_idx %arg9[%add3A_637, %parallel_loop3A_645] : memref<128x128xf32, #tpu.memory_space<vmem>>[vector<16xi32>, vector<16xi32>], vector<16xf32>,
          %parallel_loop3A_647 = arith.mulf %parallel_loop3A_646, %select_n3A_633 : vector<16xf32>
          tpu.vector_store_idx %arg13[%parallel_loop3A_645, %add3A_637], %parallel_loop3A_647 : memref<64x128xf32, #tpu.memory_space<vmem>>[vector<16xi32>, vector<16xi32>], vector<16xf32>,
        } {sc.loop_unroll_factor = 8 : i64, sc.parallel_access}
      }
      %scan3A_608 = arith.constant 8 : i32
      %dma_start3A_609 = arith.constant 0 : i32
      %dma_start3A_610 = tpu.memref_slice %arg4[%add3A_482, %dma_start3A_609, %mul3A_2] : memref<200x64x4096xf32, #tpu.memory_space<hbm>> -> memref<1x64x128xf32, #tpu.memory_space<hbm>>
      %dma_start3A_611 = tpu.memref_squeeze %dma_start3A_610 : memref<1x64x128xf32, #tpu.memory_space<hbm>> -> memref<64x128xf32, #tpu.memory_space<hbm>>
      %dma_start3A_612 = arith.constant 0 : i32
      %dma_start3A_613 = tpu.memref_slice %arg4[%add3A_482, %dma_start3A_612, %mul3A_2] : memref<200x64x4096xf32, #tpu.memory_space<hbm>> -> memref<1x64x128xf32, #tpu.memory_space<hbm>>
      %dma_start3A_614 = tpu.memref_squeeze %dma_start3A_613 : memref<1x64x128xf32, #tpu.memory_space<hbm>> -> memref<64x128xf32, #tpu.memory_space<hbm>>
      tpu.enqueue_dma source(%arg13 : memref<64x128xf32, #tpu.memory_space<vmem>>) target(%dma_start3A_614 : memref<64x128xf32, #tpu.memory_space<hbm>>) target_semaphore(%arg21 : memref<!tpu.dma_semaphore, #tpu.memory_space<semaphore_mem>>)
      %add3A_615 = arith.constant 4 : i32
      %add3A_616 = arith.addi %add3A_482, %add3A_615 : i32
      %lt3A_617 = arith.constant 200 : i32
      %lt3A_618 = arith.cmpi slt, %add3A_616, %lt3A_617 : i32
      %convert_element_type3A_619 = arith.extui %lt3A_618 : i1 to i32
      %cond3A_620 = arith.constant 0 : i32
      %cond3A_621 = arith.cmpi ne, %convert_element_type3A_619, %cond3A_620 : i32
      scf.if %cond3A_621 {
        %add3A_622 = arith.constant 4 : i32
        %add3A_623 = arith.addi %add3A_482, %add3A_622 : i32
        %jit3A_624 = arith.constant 8 : i32
        %div3A_625 = arith.divsi %add3A_623, %jit3A_624 : i32
        %sign3A_626 = arith.constant 0 : i32
        %sign3A_627 = arith.cmpi sgt, %add3A_623, %sign3A_626 : i32
        %sign3A_628 = arith.extui %sign3A_627 : i1 to i32
        %sign3A_629 = arith.constant 0 : i32
        %sign3A_630 = arith.cmpi slt, %add3A_623, %sign3A_629 : i32
        %sign3A_631 = arith.extui %sign3A_630 : i1 to i32
        %sign3A_632 = arith.subi %sign3A_628, %sign3A_631 : i32
        %sign3A_633 = arith.constant 0 : i32
        %sign3A_634 = arith.cmpi sgt, %jit3A_624, %sign3A_633 : i32
        %sign3A_635 = arith.extui %sign3A_634 : i1 to i32
        %sign3A_636 = arith.constant 0 : i32
        %sign3A_637 = arith.cmpi slt, %jit3A_624, %sign3A_636 : i32
        %sign3A_638 = arith.extui %sign3A_637 : i1 to i32
        %sign3A_639 = arith.subi %sign3A_635, %sign3A_638 : i32
        %ne3A_640 = arith.cmpi ne, %sign3A_632, %sign3A_639 : i32
        %rem3A_641 = arith.remsi %add3A_623, %jit3A_624 : i32
        %ne3A_642 = arith.constant 0 : i32
        %ne3A_643 = arith.cmpi ne, %rem3A_641, %ne3A_642 : i32
        %and3A_644 = arith.andi %ne3A_640, %ne3A_643 : i1
        %sub3A_645 = arith.constant 1 : i32
        %sub3A_646 = arith.subi %div3A_625, %sub3A_645 : i32
        %select_n3A_647 = arith.select %and3A_644, %sub3A_646, %div3A_625 : i32
        %jit3A_648 = arith.constant 2 : i32
        %eq3A_649 = arith.constant 0 : i32
        %eq3A_650 = arith.cmpi eq, %jit3A_648, %eq3A_649 : i32
        %jit3A_651 = arith.constant 1 : i32
        %select_n3A_652 = arith.select %eq3A_650, %jit3A_651, %jit3A_648 : i32
        %rem3A_653 = arith.remsi %select_n3A_647, %select_n3A_652 : i32
        %ne3A_654 = arith.constant 0 : i32
        %ne3A_655 = arith.cmpi ne, %rem3A_653, %ne3A_654 : i32
        %lt3A_656 = arith.constant 0 : i32
        %lt3A_657 = arith.cmpi slt, %rem3A_653, %lt3A_656 : i32
        %lt3A_658 = arith.constant 0 : i32
        %lt3A_659 = arith.cmpi slt, %select_n3A_652, %lt3A_658 : i32
        %ne3A_660 = arith.xori %lt3A_657, %lt3A_659 : i1
        %and3A_661 = arith.andi %ne3A_660, %ne3A_655 : i1
        %add3A_662 = arith.addi %rem3A_653, %select_n3A_652 : i32
        %select_n3A_663 = arith.select %and3A_661, %add3A_662, %rem3A_653 : i32
        %mul3A_664 = arith.constant 8 : i32
        %mul3A_665 = arith.muli %select_n3A_663, %mul3A_664 : i32
        %jit3A_666 = arith.constant 8 : i32
        %eq3A_667 = arith.constant 0 : i32
        %eq3A_668 = arith.cmpi eq, %jit3A_666, %eq3A_667 : i32
        %jit3A_669 = arith.constant 1 : i32
        %select_n3A_670 = arith.select %eq3A_668, %jit3A_669, %jit3A_666 : i32
        %rem3A_671 = arith.remsi %add3A_623, %select_n3A_670 : i32
        %ne3A_672 = arith.constant 0 : i32
        %ne3A_673 = arith.cmpi ne, %rem3A_671, %ne3A_672 : i32
        %lt3A_674 = arith.constant 0 : i32
        %lt3A_675 = arith.cmpi slt, %rem3A_671, %lt3A_674 : i32
        %lt3A_676 = arith.constant 0 : i32
        %lt3A_677 = arith.cmpi slt, %select_n3A_670, %lt3A_676 : i32
        %ne3A_678 = arith.xori %lt3A_675, %lt3A_677 : i1
        %and3A_679 = arith.andi %ne3A_678, %ne3A_673 : i1
        %add3A_680 = arith.addi %rem3A_671, %select_n3A_670 : i32
        %select_n3A_681 = arith.select %and3A_679, %add3A_680, %rem3A_671 : i32
        %add3A_682 = arith.addi %mul3A_665, %select_n3A_681 : i32
        %dma_start3A_683 = arith.constant 0 : i32
        %dma_start3A_684 = tpu.memref_slice %arg5[%add3A_682, %dma_start3A_683] : memref<16x128xi32, #tpu.memory_space<vmem>> -> memref<1x128xi32, #tpu.memory_space<vmem>>
        %dma_start3A_685 = tpu.memref_squeeze %dma_start3A_684 : memref<1x128xi32, #tpu.memory_space<vmem>> -> memref<128xi32, #tpu.memory_space<vmem>>
        %dma_start3A_686 = arith.constant 0 : i32
        %dma_start3A_687 = arith.constant 0 : i32
        %dma_start3A_688 = tpu.memref_slice %arg3[%dma_start3A_686, %dma_start3A_687] : memref<1000000x128xf32, #tpu.memory_space<hbm>> -> memref<1000000x128xf32, #tpu.memory_space<hbm>>
        tpu.enqueue_indirect_dma source(%dma_start3A_688 : memref<1000000x128xf32, #tpu.memory_space<hbm>>) target(%arg9 : memref<128x128xf32, #tpu.memory_space<vmem>>) offsets(%dma_start3A_685 : memref<128xi32, #tpu.memory_space<vmem>>) semaphore(%arg17 : memref<!tpu.dma_semaphore, #tpu.memory_space<semaphore_mem>>)
      } else {
      }
    }
    %scan3A_34 = arith.constant 50 : i32
    %dma_wait3A = arith.constant 196 : i32
    %dma_wait3A_35 = arith.constant 0 : i32
    %dma_wait3A_36 = tpu.memref_slice %arg4[%dma_wait3A, %dma_wait3A_35, %mul3A_2] : memref<200x64x4096xf32, #tpu.memory_space<hbm>> -> memref<1x64x128xf32, #tpu.memory_space<hbm>>
    %dma_wait3A_37 = tpu.memref_squeeze %dma_wait3A_36 : memref<1x64x128xf32, #tpu.memory_space<hbm>> -> memref<64x128xf32, #tpu.memory_space<hbm>>
    %dma_wait3A_38 = arith.constant 0 : i32
    %dma_wait3A_39 = tpu.memref_slice %arg4[%dma_wait3A, %dma_wait3A_38, %mul3A_2] : memref<200x64x4096xf32, #tpu.memory_space<hbm>> -> memref<1x64x128xf32, #tpu.memory_space<hbm>>
    %dma_wait3A_40 = tpu.memref_squeeze %dma_wait3A_39 : memref<1x64x128xf32, #tpu.memory_space<hbm>> -> memref<64x128xf32, #tpu.memory_space<hbm>>
    tpu.wait_dma2 semaphore(%arg18 : memref<!tpu.dma_semaphore, #tpu.memory_space<semaphore_mem>>) src(%arg10 : memref<64x128xf32, #tpu.memory_space<vmem>>) dst(%dma_wait3A_40 : memref<64x128xf32, #tpu.memory_space<hbm>>)
    %dma_wait3A_41 = arith.constant 197 : i32
    %dma_wait3A_42 = arith.constant 0 : i32
    %dma_wait3A_43 = tpu.memref_slice %arg4[%dma_wait3A_41, %dma_wait3A_42, %mul3A_2] : memref<200x64x4096xf32, #tpu.memory_space<hbm>> -> memref<1x64x128xf32, #tpu.memory_space<hbm>>
    %dma_wait3A_44 = tpu.memref_squeeze %dma_wait3A_43 : memref<1x64x128xf32, #tpu.memory_space<hbm>> -> memref<64x128xf32, #tpu.memory_space<hbm>>
    %dma_wait3A_45 = arith.constant 0 : i32
    %dma_wait3A_46 = tpu.memref_slice %arg4[%dma_wait3A_41, %dma_wait3A_45, %mul3A_2] : memref<200x64x4096xf32, #tpu.memory_space<hbm>> -> memref<1x64x128xf32, #tpu.memory_space<hbm>>
    %dma_wait3A_47 = tpu.memref_squeeze %dma_wait3A_46 : memref<1x64x128xf32, #tpu.memory_space<hbm>> -> memref<64x128xf32, #tpu.memory_space<hbm>>
    tpu.wait_dma2 semaphore(%arg19 : memref<!tpu.dma_semaphore, #tpu.memory_space<semaphore_mem>>) src(%arg11 : memref<64x128xf32, #tpu.memory_space<vmem>>) dst(%dma_wait3A_47 : memref<64x128xf32, #tpu.memory_space<hbm>>)
    %dma_wait3A_48 = arith.constant 198 : i32
    %dma_wait3A_49 = arith.constant 0 : i32
    %dma_wait3A_50 = tpu.memref_slice %arg4[%dma_wait3A_48, %dma_wait3A_49, %mul3A_2] : memref<200x64x4096xf32, #tpu.memory_space<hbm>> -> memref<1x64x128xf32, #tpu.memory_space<hbm>>
    %dma_wait3A_51 = tpu.memref_squeeze %dma_wait3A_50 : memref<1x64x128xf32, #tpu.memory_space<hbm>> -> memref<64x128xf32, #tpu.memory_space<hbm>>
    %dma_wait3A_52 = arith.constant 0 : i32
    %dma_wait3A_53 = tpu.memref_slice %arg4[%dma_wait3A_48, %dma_wait3A_52, %mul3A_2] : memref<200x64x4096xf32, #tpu.memory_space<hbm>> -> memref<1x64x128xf32, #tpu.memory_space<hbm>>
    %dma_wait3A_54 = tpu.memref_squeeze %dma_wait3A_53 : memref<1x64x128xf32, #tpu.memory_space<hbm>> -> memref<64x128xf32, #tpu.memory_space<hbm>>
    tpu.wait_dma2 semaphore(%arg20 : memref<!tpu.dma_semaphore, #tpu.memory_space<semaphore_mem>>) src(%arg12 : memref<64x128xf32, #tpu.memory_space<vmem>>) dst(%dma_wait3A_54 : memref<64x128xf32, #tpu.memory_space<hbm>>)
    %dma_wait3A_55 = arith.constant 199 : i32
    %dma_wait3A_56 = arith.constant 0 : i32
    %dma_wait3A_57 = tpu.memref_slice %arg4[%dma_wait3A_55, %dma_wait3A_56, %mul3A_2] : memref<200x64x4096xf32, #tpu.memory_space<hbm>> -> memref<1x64x128xf32, #tpu.memory_space<hbm>>
    %dma_wait3A_58 = tpu.memref_squeeze %dma_wait3A_57 : memref<1x64x128xf32, #tpu.memory_space<hbm>> -> memref<64x128xf32, #tpu.memory_space<hbm>>
    %dma_wait3A_59 = arith.constant 0 : i32
    %dma_wait3A_60 = tpu.memref_slice %arg4[%dma_wait3A_55, %dma_wait3A_59, %mul3A_2] : memref<200x64x4096xf32, #tpu.memory_space<hbm>> -> memref<1x64x128xf32, #tpu.memory_space<hbm>>
    %dma_wait3A_61 = tpu.memref_squeeze %dma_wait3A_60 : memref<1x64x128xf32, #tpu.memory_space<hbm>> -> memref<64x128xf32, #tpu.memory_space<hbm>>
    tpu.wait_dma2 semaphore(%arg21 : memref<!tpu.dma_semaphore, #tpu.memory_space<semaphore_mem>>) src(%arg13 : memref<64x128xf32, #tpu.memory_space<vmem>>) dst(%dma_wait3A_61 : memref<64x128xf32, #tpu.memory_space<hbm>>)
    return
  }
}

module attributes {stable_mosaic.version = 14 : i64} {
  func.func @_pad_body(%arg0: i32, %arg1: memref<64x16384xf32, #tpu.memory_space<vmem>>, %arg2: memref<16384x128xf32, #tpu.memory_space<vmem>>) attributes {dimension_semantics = [#tpu.dimension_semantics<arbitrary>], iteration_bounds = array<i64: 62>, scalar_prefetch = 0 : i64, scratch_operands = 0 : i64, tpu.core_type = #tpu.core_type<tc>, window_params = [{transform_indices = @transform_0, window_bounds = array<i64: 64, 16384>}, {transform_indices = @transform_1, window_bounds = array<i64: 16384, 128>}]} {
    %get3A = arith.constant 0 : index
    %get3A_0 = arith.constant 0 : index
    %get3A_1 = vector.load %arg1[%get3A, %get3A_0] : memref<64x16384xf32, #tpu.memory_space<vmem>>, vector<64x16384xf32>
    %transpose3A = tpu.transpose %get3A_1, [1, 0] : vector<64x16384xf32> -> vector<16384x64xf32>
    %swap3A = arith.constant 0 : index
    %swap3A_2 = arith.constant 0 : index
    %swap3A_3 = vector.load %arg2[%swap3A, %swap3A_2] : memref<16384x128xf32, #tpu.memory_space<vmem>>, vector<16384x64xf32>
    tpu.vector_store %arg2[%swap3A, %swap3A_2], %transpose3A {strides = array<i32>} : memref<16384x128xf32, #tpu.memory_space<vmem>>, vector<16384x64xf32>,
    return
  }
  func.func @transform_0(%arg0: i32) -> (i32, i32) {
    %c0_i32 = arith.constant 0 : i32
    %c0_i32_0 = arith.constant 0 : i32
    return %c0_i32, %arg0 : i32, i32
  }
  func.func @transform_1(%arg0: i32) -> (i32, i32) {
    %c0_i32 = arith.constant 0 : i32
    %c0_i32_0 = arith.constant 0 : i32
    return %arg0, %c0_i32 : i32, i32
  }
}

</mosaic_0001>

<sc_bundles>
// kernel: kernel.4.cloned.1.call-start
scs
__scs_entry_jumppad:
0x0: {  	(pc) =	sbr.rel $0x88, $3  }
0x1: {  	(tag) =	ssettag $0x0;
	lr =	simm.s32 $0x1  }
0x2: {  	[smem:$0x3F9F] =	sst lr;
	_ =	strace $0xD0000000  }
0x3: {  	_ = 	snop  }
0x4: {  	_ = 	snop  }
0x5: {  	_ = 	snop  }
0x6: {  	_ = 	snop  }
0x7: {  	_ = 	snop  }
__scs_overlays_trampoline_lowered:
0x8: {  	[smem:$0x3FAE] =	sst s0  }
0x9: {  	[smem:$0x3FAF] =	sst s1  }
0xa: {  	[smem:$0x3FB0] =	sst s2  }
0xb: {  	[smem:$0x3FB1] =	sst s3  }
0xc: {  	[smem:$0x3FB2] =	sst s4  }
0xd: {  	[smem:$0x3FB3] =	sst s5  }
0xe: {  	[smem:$0x3FB4] =	sst s6  }
0xf: {  	[smem:$0x3FB5] =	sst s7  }
0x10: {  	[smem:$0x3FB6] =	sst s8  }
0x11: {  	[smem:$0x3FB7] =	sst s9;
	s0 =	simm.s32 @!p0 $0x0  }
0x12: {  	s1 =	sld [smem:$0x3F9D];
	s0 =	simm.s32 @p0 $0x1  }
0x13: {  	[smem:$0x3FB8] =	sst s0;
	s0 =	simm.s32 @!p1 $0x0  }
0x14: {  	s2 =	sld [smem:$0x3F9C];
	s0 =	simm.s32 @p1 $0x1  }
0x15: {  	[smem:$0x3FB9] =	sst s0;
	s0 =	simm.s32 @!p2 $0x0  }
0x16: {  	s3 =	sld [smem:$0x3FDB];
	s0 =	simm.s32 @p2 $0x1  }
0x17: {  	s4 =	simm.s32 $0x1BF5;
	[smem:$0x3FBB] =	sst s0  }
0x18: {  	s0 =	sld [smem:$0x3F9E];
	_ =	swait.ge [sflag:s4], $0x0  }
0x19: {  	s7 =	sld [smem:$0x3F9F]  }
0x1a: {  	s8 =	sadd.s32 $0xFFFFE003, lr  }
0x1b: {  	s9 =	sadd.s32 $0xFFFFFEF7, lr;
	s5 =	simm.s32 $0xFFFFFFFF;
	p2 =	slt.u32 s8, $0xFFFFF086  }
0x1c: {  	p1 =	slt.u32 s9, $0xF7A;
	s5 =	simm.s32 @!p2 $0x0  }
0x1d: {  	s5 =	simm.s32 @p1 $0x1;
	p0 =	seq.s32 s7, s2  }
0x1e: {  	s7 =	smul.u32 @!p0 $0xF7A, s2;
	p2 =	seq.s32 @!p0 s5, $0x0  }
0x1f: {  	s9 =	smul.u32 $0xF7A, s1;
	s8 =	simm.s32 @!p0 $0x1BF5;
	p2 =	por !p2, p0  }
0x20: {  	[sflag:s8] =	ssyncset.s32 @!p0 $0xFFFFF086;
	s6 =	sadd.s32 @!p0 s3, s7;
	s7 =	simm.s32 @!p0 $0x108  }
0x21: {  	s3 =	sadd.s32 s3, s9;
	s6 =	sadd.s32 @!p0 $0x88, s6;
	s7 =	simm.s32 @p2 $0x1082  }
0x22: {  	[simem:s7], [sflag:s8] =	dma.local @!p0 [hbm:s6], $0xF7A  }
0x23: {  	s9 =	sor.u32 $0xD0000000, s2;
	s6 =	simm.s32 $0x108;
	_ =	swait.ge @!p0 [sflag:s8], $0x0  }
0x24: {  	s3 =	sadd.s32 $0x88, s3;
	s6 =	simm.s32 @!p1 $0x1082;
	[sflag:s4] =	ssyncset.s32 $0xFFFFF086  }
0x25: {  	[simem:s6], [sflag:s4] =	dma.local [hbm:s3], $0xF7A  }
0x26: {  	[smem:$0x3F9F] =	sst s1;
	(tag) =	ssettag s2;
	_ =	strace s9  }
0x27: {  	s1 =	sld [smem:$0x3FAF]  }
0x28: {  	s2 =	sld [smem:$0x3FB0]  }
0x29: {  	s4 =	sld [smem:$0x3FB2]  }
0x2a: {  	p0 =	seq.s32 s5, $0x0;
	s5 =	sld [smem:$0x3FB3]  }
0x2b: {  	s6 =	sld [smem:$0x3FB4]  }
0x2c: {  	s7 =	sld [smem:$0x3FB5]  }
0x2d: {  	s3 =	simm.s32 $0x108;
	s8 =	sld [smem:$0x3FB6]  }
0x2e: {  	s3 =	simm.s32 @!p0 $0x1082;
	s9 =	sld [smem:$0x3FB7]  }
0x2f: {  	lr =	sadd.s32 s0, s3;
	s0 =	sld [smem:$0x3FAE]  }
0x30: {  	s3 =	sld [smem:$0x3FB1]  }
0x31: {  	[smem:$0x3FBA] =	sst s10  }
0x32: {  	s10 =	sld [smem:$0x3FB8];
	_ =	sdelay $0x3  }
0x33: {  	p0 =	seq.s32 s10, $0x1;
	s10 =	sld [smem:$0x3FBA];
	_ =	sdelay $0x3  }
0x34: {  	[smem:$0x3FBA] =	sst s10  }
0x35: {  	s10 =	sld [smem:$0x3FB9];
	_ =	sdelay $0x3  }
0x36: {  	p1 =	seq.s32 s10, $0x1;
	s10 =	sld [smem:$0x3FBA];
	_ =	sdelay $0x3  }
0x37: {  	[smem:$0x3FBA] =	sst s10  }
0x38: {  	s10 =	sld [smem:$0x3FBB]  }
0x39: {  	_ = 	snop;
	(pc) =	sbr.ind lr, $3  }
0x3a: {  	_ = 	snop  }
0x3b: {  	_ = 	snop  }
0x3c: {  	p2 =	seq.s32 s10, $0x1;
	s10 =	sld [smem:$0x3FBA]  }
0x3d: {  	_ =	shalt  }
0x3e: {  	_ =	shalt  }
0x3f: {  	_ =	shalt  }
0x40: {  	_ =	shalt  }
0x41: {  	_ =	shalt  }
0x42: {  	_ =	shalt  }
0x43: {  	_ =	shalt  }
0x44: {  	_ =	shalt  }
0x45: {  	_ =	shalt  }
0x46: {  	_ =	shalt  }
0x47: {  	_ =	shalt  }
0x48: {  	_ =	shalt  }
0x49: {  	_ =	shalt  }
0x4a: {  	_ =	shalt  }
0x4b: {  	_ =	shalt  }
0x4c: {  	_ =	shalt  }
0x4d: {  	_ =	shalt  }
0x4e: {  	_ =	shalt  }
0x4f: {  	_ =	shalt  }
0x50: {  	_ =	shalt  }
0x51: {  	_ =	shalt  }
0x52: {  	_ =	shalt  }
0x53: {  	_ =	shalt  }
0x54: {  	_ =	shalt  }
0x55: {  	_ =	shalt  }
0x56: {  	_ =	shalt  }
0x57: {  	_ =	shalt  }
0x58: {  	_ =	shalt  }
0x59: {  	_ =	shalt  }
0x5a: {  	_ =	shalt  }
0x5b: {  	_ =	shalt  }
0x5c: {  	_ =	shalt  }
0x5d: {  	_ =	shalt  }
0x5e: {  	_ =	shalt  }
0x5f: {  	_ =	shalt  }
0x60: {  	_ =	shalt  }
0x61: {  	_ =	shalt  }
0x62: {  	_ =	shalt  }
0x63: {  	_ =	shalt  }
0x64: {  	_ =	shalt  }
0x65: {  	_ =	shalt  }
0x66: {  	_ =	shalt  }
0x67: {  	_ =	shalt  }
0x68: {  	_ =	shalt  }
0x69: {  	_ =	shalt  }
0x6a: {  	_ =	shalt  }
0x6b: {  	_ =	shalt  }
0x6c: {  	_ =	shalt  }
0x6d: {  	_ =	shalt  }
0x6e: {  	_ =	shalt  }
0x6f: {  	_ =	shalt  }
0x70: {  	_ =	shalt  }
0x71: {  	_ =	shalt  }
0x72: {  	_ =	shalt  }
0x73: {  	_ =	shalt  }
0x74: {  	_ =	shalt  }
0x75: {  	_ =	shalt  }
0x76: {  	_ =	shalt  }
0x77: {  	_ =	shalt  }
0x78: {  	_ =	shalt  }
0x79: {  	_ =	shalt  }
0x7a: {  	_ =	shalt  }
0x7b: {  	_ =	shalt  }
0x7c: {  	_ =	shalt  }
0x7d: {  	_ =	shalt  }
0x7e: {  	_ =	shalt  }
0x7f: {  	_ =	shalt  }
0x80: {  	_ =	shalt  }
0x81: {  	_ =	shalt  }
0x82: {  	_ =	shalt  }
0x83: {  	_ =	shalt  }
0x84: {  	_ =	shalt  }
0x85: {  	_ =	shalt  }
0x86: {  	_ =	shalt  }
0x87: {  	_ =	shalt  }
.Lfunc_end0:
.L_simem_size_0:
called_computation_lowered:
.L_overlay_start_0:
0x88: {  	s2 =	sld [smem:$0x3FD9]  }
0x89: {  	s3 =	sld [smem:$0x3FFE];
	_ =	sdelay $0x1  }
0x8a: {  	s1 =	srdreg.scid  }
0x8b: {  	s0 =	sand.u32 $0x1, s1  }
0x8c: {  	s17 =	sshll.u32 s0, $0xA;
	s2 =	sadd.s32 s3, s2  }
0x8d: {  	s2 =	sadd.s32 s2, s17  }
0x8e: {  	[smem:$0x3FC6] =	sst s2  }
0x8f: {  	_ = 	snop  }
0x90: {  	s2 =	sld [smem:$0x3FC9]  }
0x91: {  	s18 =	sld [smem:$0x3FD0];
	(tm) =	ssettm $0x1  }
0x92: {  	s4 =	sld [smem:$0x3FFB];
	_ =	sdelay $0x3  }
0x93: {  	_ =	strace s4  }
0x94: {  	s4 =	sld [smem:$0x3FFC];
	_ =	sdelay $0x3  }
0x95: {  	_ =	strace s4  }
0x96: {  	s4 =	sld [smem:$0x3FFD];
	_ =	sdelay $0x3  }
0x97: {  	_ =	strace s4  }
0x98: {  	_ =	strace $0x8FFFFFFF  }
0x99: {  	s19 =	sld [smem:$0x3FDB];
	_ =	sdelay $0x1  }
0x9a: {  	s5 =	simm.s32 $_scs_section_size  }
0x9b: {  	s6 =	simm.s32 $_size__tile_overlayer_lowered;
	s7 =	simm.s32 $_tile_overlayer_lowered  }
0x9c: {  	s22 =	simm.s32 $0x1BFF;
	s21 =	sshll.u32 s7, $0x1;
	s4 =	sadd.s32 s5, s19  }
0x9d: {  	s8 =	simm.s32 $0x0;
	s20 =	sshll.u32 s6, $0x1;
	s6 =	sadd.s32 s21, s4  }
0x9e: {  	[timem:s8], [sflag:s22] =	dma.local [hbm:s6], s20  }
0x9f: {  	_ =	swait.ge [sflag:s22], s20  }
0xa0: {  	s5 =	ssub.s32 $0x0, s20;
	[sflag:s22] =	ssyncset.done $0x0  }
0xa1: {  	[sflag:s22] =	ssyncadd.s32 s5;
	_ =	sdelay $0x1  }
0xa2: {  	s23 =	simm.s32 $0x1B8B  }
0xa3: {  	_ =	swait.ge [sflag:s23], $0x1  }
0xa4: {  	[sflag:s23] =	ssyncset.done $0x0  }
0xa5: {  	s25 =	simm.s32 $0x1B8E;
	s24 =	sld [smem:$0x3FFE];
	[sflag:s23] =	ssyncadd.s32 $0xFFFFFFFF  }
0xa6: {  	s26 =	simm.s32 $execute0_lowered;
	[smem:$0x3FD2] =	sst s25  }
0xa7: {  	s6 =	sshll.u32 s26, $0x1;
	_ =	strace $0x80000046;
	[dreg:$0x1] =	wrdreg $0xFFFFFFFF  }
0xa8: {  	s28 =	simm.s32 $_size_execute0_lowered;
	s4 =	sadd.s32 s4, s6;
	[dreg:$0x0] =	wrdreg $0x0  }
0xa9: {  	s6 =	sshll.u32 s28, $0x1;
	[dreg:$0x2] =	wrdreg s4  }
0xaa: {  	[dreg:$0x3] =	wrdreg s6  }
0xab: {  	[dreg:$0x4] =	wrdreg $0xC0  }
0xac: {  	_ =	task [dreg:s8], $0x5FFFF  }
0xad: {  	[dreg:$0x1] =	wrdreg $0xFFFFFFFF  }
0xae: {  	[dreg:$0x0] =	wrdreg $0x60  }
0xaf: {  	[dreg:$0x2] =	wrdreg s2  }
0xb0: {  	[dreg:$0x3] =	wrdreg s24  }
0xb1: {  	[dreg:$0x4] =	wrdreg s18  }
0xb2: {  	[dreg:$0x5] =	wrdreg $0x9  }
0xb3: {  	_ =	task.clear_ibuf [dreg:s8], $0x6FFFF;
	_ =	strace $0x90000046  }
0xb4: {  	s29 =	simm.s32 $0x9;
	_ =	strace $0x80000048  }
0xb5: {  	_ =	swait.ge [sflag:s29], $0x1  }
0xb6: {  	[sflag:s29] =	ssyncadd.s32 $0xFFFFFFFF  }
0xb7: {  	_ =	strace $0x90000048  }
0xb8: {  	_ =	sfence  }
0xb9: {  	s30 =	sld [smem:$0x0];
	_ =	sdelay $0x2  }
0xba: {  	s31 =	sshll.u32 s1, $0xD;
	s1 =	sshrl.u32 s1, $0x2  }
0xbb: {  	s3 =	sand.u32 $0x4000, s31;
	s1 =	sadd.s32 s1, s30  }
0xbc: {  	s0 =	sor.u32 s3, s0;
	s1 =	sshll.u32 s1, $0x11  }
0xbd: {  	s0 =	sor.u32 s1, s0  }
0xbe: {  	s0 =	sadd.s32 $0x8F2B, s0  }
0xbf: {  	[sflag:s0] =	ssyncadd.remote.s32 $0x1  }
0xc0: {  	_ =	sfence.sel $0xFFFF  }
0xc1: {  	[dreg:$0x0] =	wrdreg $0xFFFFFFFF;
	(pc) =	sbr.abs _section_cstart, $3  }
0xc2: {  	[dreg:$0x1] =	wrdreg $0xFFFFFFFF  }
0xc3: {  	_ =	task.clear_ibuf [dreg:s8], $0x2FFFF;
	_ =	strace $0x9FFFFFFF  }
0xc4: {  	(tm) =	ssettm $0x7FFFFFFF  }
0xc5: {  	_ =	shalt  }
tec
execute0_lowered:
.L_overlay_start_1:
0x0: {  	(tag) =	ssettag $0x1  }
0x1: {  	s1 =	rddreg [dreg:$0x0]  }
0x2: {  	s0 =	rddreg [dreg:$0x1]  }
0x3: {  	s3 =	rddreg [dreg:$0x2];
	s2 =	srdreg.scid  }
0x4: {  	s4 =	stileid.u32;
	s6 =	simm.s32 $0x0;
	s10 =	simm.s32 $0x80  }
0x5: {  	s11 =	simm.s32 $0x800;
	s12 =	simm.s32 $0x4800;
	s14 =	simm.s32 $0x8800  }
0x6: {  	s16 =	simm.s32 $0xC800;
	s17 =	simm.s32 $0x1;
	s18 =	simm.s32 $0x10800  }
0x7: {  	s19 =	simm.s32 $0x400;
	s20 =	simm.s32 $0x8000;
	s21 =	simm.s32 $0x2  }
0x8: {  	s22 =	simm.s32 $0x12800;
	s23 =	simm.s32 $0x3;
	s24 =	simm.s32 $0x14800  }
0x9: {  	s25 =	simm.s32 $0x4;
	s30 =	simm.s32 $0x7;
	s2 =	sand.u32 $0x1, s2  }
0xa: {  	s31 =	simm.s32 $0x8;
	s4 =	sshll.u32 s4, $0xB;
	s5 =	sshll.u32 s2, $0xA  }
.Ltmp0:
0xb: {  	s2 =	ssub.s32 $0x2, s2;
	s5 =	sor.u32 s5, s4;
	(pc) =	sbr.rel .LBB2_1-.Ltmp0, $4  }
0xc: {  	[smem:$0x7FF] =	sst s6;
	s26 =	sshrl.u32 s2, $0x1;
	s7 =	sshrl.u32 s5, $0x3  }
0xd: {  	s6 =	sadd.s32 $0x400, s0;
	s28 =	ssub.s32 s2, s26;
	s29 =	sadd.s32 s1, s7  }
0xe: {  	_ =	strace $0x80000047;
	s0 =	smax.u32 s28, $0x1;
	[dreg:$0x4] =	wrdreg s29  }
0xf: {  	v0 =	vimm.f32 $8.000000000e+00;
	v1 =	vlaneseq.u32;
	s26 =	simm.s32 $0x16800;
	[dreg:$0x5] =	wrdreg s0;
	s0 =	simm.s32 $0x0  }
.LBB2_20:
0x10: {  	s2 =	simm.s32 $0x5  }
0x11: {  	_ =	swait.ge [sflag:s2], $0x2000  }
0x12: {  	[sflag:s2] =	ssyncset.done $0x0  }
0x13: {  	s28 =	simm.s32 $0x6;
	[sflag:s2] =	ssyncadd.s32 $0xFFFFE000  }
0x14: {  	_ =	swait.ge [sflag:s28], $0x2000  }
0x15: {  	[sflag:s28] =	ssyncset.done $0x0  }
0x16: {  	[sflag:s28] =	ssyncadd.s32 $0xFFFFE000  }
0x17: {  	_ =	swait.ge [sflag:s30], $0x2000  }
0x18: {  	[sflag:s30] =	ssyncset.done $0x0  }
0x19: {  	[sflag:s30] =	ssyncadd.s32 $0xFFFFE000  }
0x1a: {  	_ =	swait.ge [sflag:s31], $0x2000  }
0x1b: {  	s0 =	sadd.s32 $0x1, s0;
	s29 =	rddreg [dreg:$0x5]  }
0x1c: {  	p0 =	sne.s32 s0, s29  }
.Ltmp1:
0x1d: {  	_ = 	snop;
	(pc) =	sbr.rel @!p0 .LBB2_21-.Ltmp1, $3  }
0x1e: {  	_ =	sdelay $0x1  }
0x1f: {  	[sflag:s31] =	ssyncset.done $0x0  }
0x20: {  	[sflag:s31] =	ssyncadd.s32 $0xFFFFE000  }
.LBB2_1:
0x21: {  	s2 =	simm.s32 $0x0;
	s4 =	rddreg [dreg:$0x4];
	s15 =	simm.s32 $0x9  }
0x22: {  	[tilespmem:s2], [sflag:$0x9] =	stream.linear.gather [hbm4b:s4+s2], $0x400, $0x38;
	[tilespmem:$0x18800] =	vst v63  }
0x23: {  	_ =	swait.ge [sflag:s15], $0x400  }
0x24: {  	[sflag:s15] =	ssyncset.done $0x0  }
0x25: {  	[sflag:s15] =	ssyncadd.s32 $0xFFFFFC00  }
0x26: {  	[tilespmem:s11], [sflag:$0x1] =	stream.indirect.gather [hbm4b:s6+s10], $0x80, s2, s10, $0xb8;
	[tilespmem:$0x18800] =	vst v63  }
0x27: {  	_ = 	snop  }
0x28: {  	[tilespmem:s12], [sflag:$0x2] =	stream.indirect.gather [hbm4b:s6+s10], $0x80, s10, s10, $0xb8;
	[tilespmem:$0x18800] =	vst v63  }
0x29: {  	s28 =	simm.s32 $0x100  }
0x2a: {  	[tilespmem:s14], [sflag:$0x3] =	stream.indirect.gather [hbm4b:s6+s10], $0x80, s28, s10, $0xb8;
	[tilespmem:$0x18800] =	vst v63  }
0x2b: {  	s29 =	simm.s32 $0x180;
	s2 =	simm.s32 $0x0  }
0x2c: {  	[tilespmem:s16], [sflag:$0x4] =	stream.indirect.gather [hbm4b:s6+s10], $0x80, s29, s10, $0xb8;
	[tilespmem:$0x18800] =	vst v63  }
.LBB2_2:
0x2d: {  	s13 =	sshll.u32 s2, $0x2  }
0x2e: {  	p0 =	sgt.u32 s2, $0x2F;
	s4 =	sand.u32 $0x4, s13  }
0x2f: {  	p1 =	sne.s32 @!p0 s4, $0x0  }
0x30: {  	s7 =	sshrl.u32 s2, $0x1;
	p0 =	por p1, p0  }
0x31: {  	s8 =	sadd.s32 @!p0 $0x1, s7  }
0x32: {  	s9 =	sshll.u32 @!p0 s8, $0xF  }
0x33: {  	s9 =	sor.u32 @!p0 s5, s9  }
0x34: {  	s8 =	sshll.u32 @!p0 s8, $0xA;
	s9 =	sshrl.u32 @!p0 s9, $0x3  }
0x35: {  	s15 =	simm.s32 @!p0 $0x0;
	s8 =	sand.u32 @!p0 $0x400, s8;
	s9 =	sadd.s32 @!p0 s1, s9  }
0x36: {  	[tilespmem:s8], [sflag:$0x9] =	stream.linear.gather @!p0 [hbm4b:s9+s15], $0x400, $0x38;
	[tilespmem:$0x18800] =	vst v63  }
0x37: {  	s8 =	simm.s32 @!p0 $0x9  }
0x38: {  	_ =	swait.ge @!p0 [sflag:s8], $0x400  }
0x39: {  	[sflag:s8] =	ssyncset.done @!p0 $0x0  }
0x3a: {  	[sflag:s8] =	ssyncadd.s32 @!p0 $0xFFFFFC00  }
0x3b: {  	_ =	swait.ge [sflag:s17], $0x4000  }
0x3c: {  	s7 =	sshll.u32 s7, $0x3;
	p0 =	seq.s32 s2, $0x0;
	[sflag:s17] =	ssyncset.done $0x0  }
0x3d: {  	s7 =	sand.u32 $0x8, s7;
	s8 =	simm.s32 @!p0 $0x5;
	[sflag:s17] =	ssyncadd.s32 $0xFFFFC000  }
0x3e: {  	s4 =	sor.u32 s4, s7;
	_ =	swait.ge @!p0 [sflag:s8], $0x2000  }
0x3f: {  	s7 =	sshll.u32 s4, $0x7;
	[sflag:s8] =	ssyncset.done @!p0 $0x0  }
0x40: {  	s4 =	simm.s32 $0x0;
	v2 =	vmov s7;
	s7 =	simm.s32 $0x0;
	[sflag:s8] =	ssyncadd.s32 @!p0 $0xFFFFE000  }
.LBB2_3:
0x41: {  	_ =	sdelay $0x1  }
0x42: {  	s8 =	sshll.u32 s7, $0x4  }
0x43: {  	v6 =	vadd.s32 s4, v1;
	v3 =	vor.u32 s8, v1  }
0x44: {  	s9 =	simm.s32 $0x7;
	s15 =	simm.s32 $0x6;
	v4 =	vld.idx.msk [tilespmem:v2+s8+$0x0 ss:$0x1], $0xffff;
	v6 =	vand.u32 $0x3F, v6;
	v5 =	vshll.u32 v3, $0x7  }
0x45: {  	s28 =	simm.s32 $0x5;
	s29 =	simm.s32 $0x3;
	v7 =	vadd.s32 s9, v1;
	v8 =	vadd.s32 s15, v1;
	v11 =	vor.u32 v5, v6  }
0x46: {  	s9 =	simm.s32 $0x4;
	v9 =	vadd.s32 s28, v1;
	v16 =	vadd.s32 s29, v1;
	v7 =	vand.u32 $0x3F, v7  }
0x47: {  	s15 =	simm.s32 $0x2;
	v8 =	vand.u32 $0x3F, v8;
	v10 =	vadd.s32 s9, v1;
	v12 =	vor.u32 v5, v7  }
0x48: {  	v9 =	vand.u32 $0x3F, v9;
	v17 =	vadd.s32 s15, v1;
	v13 =	vor.u32 v5, v8  }
0x49: {  	v10 =	vand.u32 $0x3F, v10;
	v15 =	vor.u32 v5, v9;
	vm0 =	veq.s32 v4, $0x0  }
0x4a: {  	s8 =	simm.s32 $0x8;
	s9 =	simm.s32 $0x1;
	v4 =	vsel vm0, $0x0, v0;
	v14 =	vld.idx.msk [tilespmem:v11+s11+$0x0], $0xffff;
	v11 =	vand.u32 $0x3F, v16;
	v16 =	vor.u32 v5, v10  }
.LBB2_4:
0x4b: {  	p1 =	slt.u32 s8, $0x38;
	v18 =	vadd.s32 s9, v1;
	v17 =	vand.u32 $0x3F, v17;
	v19 =	vor.u32 v5, v11  }
0x4c: {  	v20 =	vadd.s32 s8, v1;
	v18 =	vand.u32 $0x3F, v18;
	v21 =	vor.u32 v5, v17;
	v12 =	vld.idx.msk [tilespmem:v12+s11+$0x0], $0xffff  }
0x4d: {  	v22 =	vshll.u32 v6, $0x7;
	v6 =	vand.u32 $0x3F, v20;
	v20 =	vor.u32 v5, v18;
	v13 =	vld.idx.msk [tilespmem:v13+s11+$0x0], $0xffff  }
0x4e: {  	v7 =	vshll.u32 v7, $0x7;
	v22 =	vadd.s32 v3, v22;
	v23 =	vor.u32 v5, v6;
	v15 =	vld.idx.msk [tilespmem:v15+s11+$0x0], $0xffff  }
0x4f: {  	s9 =	sadd.s32 $0x7, s8;
	v8 =	vshll.u32 v8, $0x7;
	v24 =	vadd.s32 v3, v7;
	v14 =	vmul.f32 v14, v4;
	v16 =	vld.idx.msk [tilespmem:v16+s11+$0x0], $0xffff  }
0x50: {  	v9 =	vshll.u32 v9, $0x7;
	v7 =	vadd.s32 s9, v1;
	v8 =	vadd.s32 v3, v8;
	v19 =	vld.idx.msk [tilespmem:v19+s11+$0x0], $0xffff  }
0x51: {  	v10 =	vshll.u32 v10, $0x7;
	v9 =	vadd.s32 v3, v9;
	v7 =	vand.u32 $0x3F, v7;
	v21 =	vld.idx.msk [tilespmem:v21+s11+$0x0], $0xffff  }
0x52: {  	v11 =	vshll.u32 v11, $0x7;
	v10 =	vadd.s32 v3, v10;
	v12 =	vmul.f32 v12, v4;
	v20 =	vld.idx.msk [tilespmem:v20+s11+$0x0], $0xffff  }
0x53: {  	v11 =	vadd.s32 v3, v11;
	v13 =	vmul.f32 v13, v4;
	[tilespmem:v22+s18+$0x0] =	vst.idx.msk $0xffff, v14;
	v14 =	vshll.u32 v17, $0x7  }
0x54: {  	s9 =	sadd.s32 $0x6, s8;
	v17 =	vshll.u32 v18, $0x7;
	v18 =	vadd.s32 v3, v14;
	v14 =	vmul.f32 v15, v4;
	[tilespmem:v24+s18+$0x0] =	vst.idx.msk $0xffff, v12  }
0x55: {  	v12 =	vadd.s32 s9, v1;
	v22 =	vadd.s32 v3, v17;
	v15 =	vmul.f32 v16, v4;
	[tilespmem:v8+s18+$0x0] =	vst.idx.msk $0xffff, v13  }
.Ltmp2:
0x56: {  	s9 =	sadd.s32 $0x5, s8;
	v8 =	vand.u32 $0x3F, v12;
	v12 =	vor.u32 v5, v7;
	v16 =	vmul.f32 v19, v4;
	[tilespmem:v9+s18+$0x0] =	vst.idx.msk $0xffff, v14;
	(pc) =	sbr.rel @p1 .LBB2_4-.Ltmp2, $4  }
0x57: {  	s15 =	sadd.s32 $0x4, s8;
	v9 =	vadd.s32 s9, v1;
	v13 =	vor.u32 v5, v8;
	v17 =	vmul.f32 v21, v4;
	[tilespmem:v10+s18+$0x0] =	vst.idx.msk $0xffff, v15  }
0x58: {  	s9 =	sadd.s32 $0x3, s8;
	v10 =	vadd.s32 s15, v1;
	v9 =	vand.u32 $0x3F, v9;
	v19 =	vmul.f32 v20, v4;
	[tilespmem:v11+s18+$0x0] =	vst.idx.msk $0xffff, v16  }
0x59: {  	s15 =	sadd.s32 $0x2, s8;
	v11 =	vadd.s32 s9, v1;
	v10 =	vand.u32 $0x3F, v10;
	v15 =	vor.u32 v5, v9;
	v14 =	vld.idx.msk [tilespmem:v23+s11+$0x0], $0xffff;
	[tilespmem:v18+s18+$0x0] =	vst.idx.msk $0xffff, v17  }
0x5a: {  	s9 =	sadd.s32 $0x1, s8;
	s8 =	sadd.s32 $0x8, s8;
	v17 =	vadd.s32 s15, v1;
	v11 =	vand.u32 $0x3F, v11;
	v16 =	vor.u32 v5, v10;
	[tilespmem:v22+s18+$0x0] =	vst.idx.msk $0xffff, v19  }
0x5b: {  	_ =	sdelay $0x2  }
0x5c: {  	v18 =	vadd.s32 s9, v1;
	v17 =	vand.u32 $0x3F, v17;
	v19 =	vor.u32 v5, v11  }
0x5d: {  	v12 =	vld.idx.msk [tilespmem:v12+s11+$0x0], $0xffff;
	v6 =	vshll.u32 v6, $0x7;
	v18 =	vand.u32 $0x3F, v18;
	v20 =	vor.u32 v5, v17  }
0x5e: {  	v13 =	vld.idx.msk [tilespmem:v13+s11+$0x0], $0xffff;
	v7 =	vshll.u32 v7, $0x7;
	v6 =	vadd.s32 v3, v6;
	v56 =	vor.u32 v5, v18  }
0x5f: {  	v15 =	vld.idx.msk [tilespmem:v15+s11+$0x0], $0xffff;
	v8 =	vshll.u32 v8, $0x7;
	v7 =	vadd.s32 v3, v7  }
0x60: {  	v16 =	vld.idx.msk [tilespmem:v16+s11+$0x0], $0xffff;
	v9 =	vshll.u32 v9, $0x7;
	v10 =	vshll.u32 v10, $0x7;
	v8 =	vadd.s32 v3, v8  }
0x61: {  	v57 =	vshll.u32 v11, $0x7;
	v9 =	vadd.s32 v3, v9;
	v14 =	vmul.f32 v14, v4;
	v19 =	vld.idx.msk [tilespmem:v19+s11+$0x0], $0xffff  }
0x62: {  	v10 =	vadd.s32 v3, v10;
	v58 =	vshll.u32 v17, $0x7;
	v12 =	vmul.f32 v12, v4;
	v20 =	vld.idx.msk [tilespmem:v20+s11+$0x0], $0xffff  }
0x63: {  	v11 =	vadd.s32 v3, v57;
	v13 =	vmul.f32 v13, v4;
	[tilespmem:v6+s18+$0x0] =	vst.idx.msk $0xffff, v14;
	v5 =	vld.idx.msk [tilespmem:v56+s11+$0x0], $0xffff  }
0x64: {  	s7 =	sadd.s32 $0x1, s7;
	v59 =	vshll.u32 v18, $0x7;
	v15 =	vmul.f32 v15, v4;
	v6 =	vadd.s32 v3, v58;
	[tilespmem:v7+s18+$0x0] =	vst.idx.msk $0xffff, v12  }
0x65: {  	p1 =	sne.s32 s7, $0x8;
	v60 =	vmul.f32 v16, v4;
	v3 =	vadd.s32 v3, v59;
	[tilespmem:v8+s18+$0x0] =	vst.idx.msk $0xffff, v13  }
.Ltmp3:
0x66: {  	[tilespmem:v9+s18+$0x0] =	vst.idx.msk $0xffff, v15;
	v61 =	vmul.f32 v19, v4;
	(pc) =	sbr.rel @p1 .LBB2_3-.Ltmp3, $4  }
0x67: {  	[tilespmem:v10+s18+$0x0] =	vst.idx.msk $0xffff, v60;
	v62 =	vmul.f32 v20, v4  }
0x68: {  	v63 =	vmul.f32 v5, v4;
	[tilespmem:v11+s18+$0x0] =	vst.idx.msk $0xffff, v61  }
0x69: {  	[tilespmem:v6+s18+$0x0] =	vst.idx.msk $0xffff, v62  }
0x6a: {  	[tilespmem:v3+s18+$0x0] =	vst.idx.msk $0xffff, v63  }
0x6b: {  	s4 =	sshll.u32 s2, $0x14  }
0x6c: {  	s4 =	sor.u32 s5, s4  }
0x6d: {  	p1 =	seq.s32 s2, $0x31;
	s4 =	sshrl.u32 s4, $0x3  }
0x6e: {  	s15 =	sshll.u32 @!p1 s2, $0xB;
	s4 =	sadd.s32 s3, s4  }
0x6f: {  	[hbm4b:s4+s19] =	stream.strided.scatter [tilespmem:s18], [sflag:$0x5], $0x2000, s20, s19, $0x38;
	[tilespmem:$0x18800] =	vst v63  }
0x70: {  	s4 =	sadd.s32 @!p1 $0x800, s15  }
0x71: {  	s4 =	sand.u32 @!p1 $0x1800, s4  }
0x72: {  	s7 =	simm.s32 @!p1 $0x80;
	s8 =	simm.s32 @!p1 $0x800;
	s4 =	sshrl.u32 @!p1 s4, $0x2  }
0x73: {  	[tilespmem:s8], [sflag:$0x1] =	stream.indirect.gather @!p1 [hbm4b:s6+s7], $0x80, s4, s7, $0xb8;
	[tilespmem:$0x18800] =	vst v63  }
0x74: {  	_ =	swait.ge [sflag:s21], $0x4000  }
0x75: {  	[sflag:s21] =	ssyncset.done $0x0  }
0x76: {  	s4 =	sor.u32 $0x1, s13;
	s7 =	simm.s32 @!p0 $0x6;
	[sflag:s21] =	ssyncadd.s32 $0xFFFFC000  }
0x77: {  	s29 =	sshll.u32 s4, $0x7;
	_ =	swait.ge @!p0 [sflag:s7], $0x2000  }
0x78: {  	s8 =	sand.u32 $0x680, s29;
	[sflag:s7] =	ssyncset.done @!p0 $0x0  }
0x79: {  	v2 =	vmov s8;
	s8 =	simm.s32 $0x0;
	[sflag:s7] =	ssyncadd.s32 @!p0 $0xFFFFE000;
	s7 =	simm.s32 $0x0  }
.LBB2_7:
0x7a: {  	_ =	sdelay $0x1  }
0x7b: {  	s9 =	sshll.u32 s8, $0x4  }
0x7c: {  	v6 =	vadd.s32 s7, v1;
	v3 =	vor.u32 s9, v1  }
0x7d: {  	s29 =	simm.s32 $0x7;
	s28 =	simm.s32 $0x4;
	v4 =	vld.idx.msk [tilespmem:v2+s9+$0x0 ss:$0x1], $0xffff;
	v6 =	vand.u32 $0x3F, v6;
	v5 =	vshll.u32 v3, $0x7  }
0x7e: {  	v7 =	vadd.s32 s29, v1;
	s29 =	simm.s32 $0x6;
	s9 =	simm.s32 $0x3;
	v10 =	vadd.s32 s28, v1;
	v11 =	vor.u32 v5, v6  }
0x7f: {  	v7 =	vand.u32 $0x3F, v7;
	v8 =	vadd.s32 s29, v1;
	s29 =	simm.s32 $0x5;
	v16 =	vadd.s32 s9, v1  }
0x80: {  	v8 =	vand.u32 $0x3F, v8;
	v12 =	vor.u32 v5, v7;
	v9 =	vadd.s32 s29, v1  }
0x81: {  	v10 =	vand.u32 $0x3F, v10;
	s29 =	simm.s32 $0x2;
	v13 =	vor.u32 v5, v8;
	v9 =	vand.u32 $0x3F, v9  }
0x82: {  	v17 =	vadd.s32 s29, v1;
	v15 =	vor.u32 v5, v9;
	vm0 =	veq.s32 v4, $0x0  }
0x83: {  	s28 =	simm.s32 $0x1;
	s9 =	simm.s32 $0x8;
	v4 =	vsel vm0, $0x0, v0;
	v14 =	vld.idx.msk [tilespmem:v11+s12+$0x0], $0xffff;
	v11 =	vand.u32 $0x3F, v16;
	v16 =	vor.u32 v5, v10  }
.LBB2_8:
0x84: {  	p2 =	slt.u32 s9, $0x38;
	v18 =	vadd.s32 s28, v1;
	v17 =	vand.u32 $0x3F, v17;
	v19 =	vor.u32 v5, v11  }
0x85: {  	v20 =	vadd.s32 s9, v1;
	v18 =	vand.u32 $0x3F, v18;
	v21 =	vor.u32 v5, v17;
	v12 =	vld.idx.msk [tilespmem:v12+s12+$0x0], $0xffff  }
0x86: {  	v22 =	vshll.u32 v6, $0x7;
	v6 =	vand.u32 $0x3F, v20;
	v20 =	vor.u32 v5, v18;
	v13 =	vld.idx.msk [tilespmem:v13+s12+$0x0], $0xffff  }
0x87: {  	v7 =	vshll.u32 v7, $0x7;
	v22 =	vadd.s32 v3, v22;
	v23 =	vor.u32 v5, v6;
	v15 =	vld.idx.msk [tilespmem:v15+s12+$0x0], $0xffff  }
0x88: {  	s28 =	sadd.s32 $0x7, s9;
	v8 =	vshll.u32 v8, $0x7;
	v24 =	vadd.s32 v3, v7;
	v14 =	vmul.f32 v14, v4;
	v16 =	vld.idx.msk [tilespmem:v16+s12+$0x0], $0xffff  }
0x89: {  	v9 =	vshll.u32 v9, $0x7;
	v7 =	vadd.s32 s28, v1;
	v8 =	vadd.s32 v3, v8;
	v19 =	vld.idx.msk [tilespmem:v19+s12+$0x0], $0xffff  }
0x8a: {  	v10 =	vshll.u32 v10, $0x7;
	v9 =	vadd.s32 v3, v9;
	v7 =	vand.u32 $0x3F, v7;
	v21 =	vld.idx.msk [tilespmem:v21+s12+$0x0], $0xffff  }
0x8b: {  	v11 =	vshll.u32 v11, $0x7;
	v10 =	vadd.s32 v3, v10;
	v12 =	vmul.f32 v12, v4;
	v20 =	vld.idx.msk [tilespmem:v20+s12+$0x0], $0xffff  }
0x8c: {  	v11 =	vadd.s32 v3, v11;
	v13 =	vmul.f32 v13, v4;
	[tilespmem:v22+s22+$0x0] =	vst.idx.msk $0xffff, v14;
	v14 =	vshll.u32 v17, $0x7  }
0x8d: {  	s28 =	sadd.s32 $0x6, s9;
	v17 =	vshll.u32 v18, $0x7;
	v18 =	vadd.s32 v3, v14;
	v14 =	vmul.f32 v15, v4;
	[tilespmem:v24+s22+$0x0] =	vst.idx.msk $0xffff, v12  }
0x8e: {  	v12 =	vadd.s32 s28, v1;
	v22 =	vadd.s32 v3, v17;
	v15 =	vmul.f32 v16, v4;
	[tilespmem:v8+s22+$0x0] =	vst.idx.msk $0xffff, v13  }
.Ltmp4:
0x8f: {  	s28 =	sadd.s32 $0x5, s9;
	v8 =	vand.u32 $0x3F, v12;
	v12 =	vor.u32 v5, v7;
	v16 =	vmul.f32 v19, v4;
	[tilespmem:v9+s22+$0x0] =	vst.idx.msk $0xffff, v14;
	(pc) =	sbr.rel @p2 .LBB2_8-.Ltmp4, $4  }
0x90: {  	s29 =	sadd.s32 $0x4, s9;
	v9 =	vadd.s32 s28, v1;
	v13 =	vor.u32 v5, v8;
	v17 =	vmul.f32 v21, v4;
	[tilespmem:v10+s22+$0x0] =	vst.idx.msk $0xffff, v15  }
0x91: {  	s28 =	sadd.s32 $0x3, s9;
	v10 =	vadd.s32 s29, v1;
	v9 =	vand.u32 $0x3F, v9;
	v19 =	vmul.f32 v20, v4;
	[tilespmem:v11+s22+$0x0] =	vst.idx.msk $0xffff, v16  }
0x92: {  	s29 =	sadd.s32 $0x2, s9;
	v11 =	vadd.s32 s28, v1;
	v10 =	vand.u32 $0x3F, v10;
	v15 =	vor.u32 v5, v9;
	v14 =	vld.idx.msk [tilespmem:v23+s12+$0x0], $0xffff;
	[tilespmem:v18+s22+$0x0] =	vst.idx.msk $0xffff, v17  }
0x93: {  	s28 =	sadd.s32 $0x1, s9;
	s9 =	sadd.s32 $0x8, s9;
	v17 =	vadd.s32 s29, v1;
	v11 =	vand.u32 $0x3F, v11;
	v16 =	vor.u32 v5, v10;
	[tilespmem:v22+s22+$0x0] =	vst.idx.msk $0xffff, v19  }
0x94: {  	_ =	sdelay $0x2  }
0x95: {  	v18 =	vadd.s32 s28, v1;
	v17 =	vand.u32 $0x3F, v17;
	v19 =	vor.u32 v5, v11  }
0x96: {  	v12 =	vld.idx.msk [tilespmem:v12+s12+$0x0], $0xffff;
	v6 =	vshll.u32 v6, $0x7;
	v18 =	vand.u32 $0x3F, v18;
	v20 =	vor.u32 v5, v17  }
0x97: {  	v13 =	vld.idx.msk [tilespmem:v13+s12+$0x0], $0xffff;
	v7 =	vshll.u32 v7, $0x7;
	v6 =	vadd.s32 v3, v6;
	v56 =	vor.u32 v5, v18  }
0x98: {  	v15 =	vld.idx.msk [tilespmem:v15+s12+$0x0], $0xffff;
	v8 =	vshll.u32 v8, $0x7;
	v7 =	vadd.s32 v3, v7  }
0x99: {  	v16 =	vld.idx.msk [tilespmem:v16+s12+$0x0], $0xffff;
	v9 =	vshll.u32 v9, $0x7;
	v10 =	vshll.u32 v10, $0x7;
	v8 =	vadd.s32 v3, v8  }
0x9a: {  	v57 =	vshll.u32 v11, $0x7;
	v9 =	vadd.s32 v3, v9;
	v14 =	vmul.f32 v14, v4;
	v19 =	vld.idx.msk [tilespmem:v19+s12+$0x0], $0xffff  }
0x9b: {  	v10 =	vadd.s32 v3, v10;
	v58 =	vshll.u32 v17, $0x7;
	v12 =	vmul.f32 v12, v4;
	v20 =	vld.idx.msk [tilespmem:v20+s12+$0x0], $0xffff  }
0x9c: {  	v11 =	vadd.s32 v3, v57;
	v13 =	vmul.f32 v13, v4;
	[tilespmem:v6+s22+$0x0] =	vst.idx.msk $0xffff, v14;
	v5 =	vld.idx.msk [tilespmem:v56+s12+$0x0], $0xffff  }
0x9d: {  	s8 =	sadd.s32 $0x1, s8;
	v59 =	vshll.u32 v18, $0x7;
	v15 =	vmul.f32 v15, v4;
	v6 =	vadd.s32 v3, v58;
	[tilespmem:v7+s22+$0x0] =	vst.idx.msk $0xffff, v12  }
0x9e: {  	p2 =	sne.s32 s8, $0x8;
	v60 =	vmul.f32 v16, v4;
	v3 =	vadd.s32 v3, v59;
	[tilespmem:v8+s22+$0x0] =	vst.idx.msk $0xffff, v13  }
.Ltmp5:
0x9f: {  	[tilespmem:v9+s22+$0x0] =	vst.idx.msk $0xffff, v15;
	v61 =	vmul.f32 v19, v4;
	(pc) =	sbr.rel @p2 .LBB2_7-.Ltmp5, $4  }
0xa0: {  	[tilespmem:v10+s22+$0x0] =	vst.idx.msk $0xffff, v60;
	v62 =	vmul.f32 v20, v4  }
0xa1: {  	v63 =	vmul.f32 v5, v4;
	[tilespmem:v11+s22+$0x0] =	vst.idx.msk $0xffff, v61  }
0xa2: {  	[tilespmem:v6+s22+$0x0] =	vst.idx.msk $0xffff, v62  }
0xa3: {  	[tilespmem:v3+s22+$0x0] =	vst.idx.msk $0xffff, v63  }
0xa4: {  	s4 =	sshll.u32 s4, $0x12  }
0xa5: {  	s4 =	sor.u32 s5, s4  }
0xa6: {  	s4 =	sshrl.u32 s4, $0x3  }
0xa7: {  	s4 =	sadd.s32 s3, s4  }
0xa8: {  	[hbm4b:s4+s19] =	stream.strided.scatter [tilespmem:s22], [sflag:$0x6], $0x2000, s20, s19, $0x38;
	[tilespmem:$0x18800] =	vst v63  }
0xa9: {  	s4 =	sadd.s32 @!p1 $0xA00, s15  }
0xaa: {  	s4 =	sand.u32 @!p1 $0x1A00, s4  }
0xab: {  	s7 =	simm.s32 @!p1 $0x80;
	s8 =	simm.s32 @!p1 $0x4800;
	s4 =	sshrl.u32 @!p1 s4, $0x2  }
0xac: {  	[tilespmem:s8], [sflag:$0x2] =	stream.indirect.gather @!p1 [hbm4b:s6+s7], $0x80, s4, s7, $0xb8;
	[tilespmem:$0x18800] =	vst v63  }
0xad: {  	_ =	swait.ge [sflag:s23], $0x4000  }
0xae: {  	[sflag:s23] =	ssyncset.done $0x0  }
0xaf: {  	s4 =	sor.u32 $0x2, s13;
	s7 =	simm.s32 @!p0 $0x7;
	[sflag:s23] =	ssyncadd.s32 $0xFFFFC000  }
0xb0: {  	s29 =	sshll.u32 s4, $0x7;
	_ =	swait.ge @!p0 [sflag:s7], $0x2000  }
0xb1: {  	s8 =	sand.u32 $0x700, s29;
	[sflag:s7] =	ssyncset.done @!p0 $0x0  }
0xb2: {  	v2 =	vmov s8;
	s8 =	simm.s32 $0x0;
	[sflag:s7] =	ssyncadd.s32 @!p0 $0xFFFFE000;
	s7 =	simm.s32 $0x0  }
.LBB2_11:
0xb3: {  	_ =	sdelay $0x1  }
0xb4: {  	s9 =	sshll.u32 s8, $0x4  }
0xb5: {  	v6 =	vadd.s32 s7, v1;
	v3 =	vor.u32 s9, v1  }
0xb6: {  	s29 =	simm.s32 $0x7;
	s28 =	simm.s32 $0x4;
	v4 =	vld.idx.msk [tilespmem:v2+s9+$0x0 ss:$0x1], $0xffff;
	v6 =	vand.u32 $0x3F, v6;
	v5 =	vshll.u32 v3, $0x7  }
0xb7: {  	v7 =	vadd.s32 s29, v1;
	s29 =	simm.s32 $0x6;
	s9 =	simm.s32 $0x3;
	v10 =	vadd.s32 s28, v1;
	v11 =	vor.u32 v5, v6  }
0xb8: {  	v7 =	vand.u32 $0x3F, v7;
	v8 =	vadd.s32 s29, v1;
	s29 =	simm.s32 $0x5;
	v16 =	vadd.s32 s9, v1  }
0xb9: {  	v8 =	vand.u32 $0x3F, v8;
	v12 =	vor.u32 v5, v7;
	v9 =	vadd.s32 s29, v1  }
0xba: {  	v10 =	vand.u32 $0x3F, v10;
	s29 =	simm.s32 $0x2;
	v13 =	vor.u32 v5, v8;
	v9 =	vand.u32 $0x3F, v9  }
0xbb: {  	v17 =	vadd.s32 s29, v1;
	v15 =	vor.u32 v5, v9;
	vm0 =	veq.s32 v4, $0x0  }
0xbc: {  	s28 =	simm.s32 $0x1;
	s9 =	simm.s32 $0x8;
	v4 =	vsel vm0, $0x0, v0;
	v14 =	vld.idx.msk [tilespmem:v11+s14+$0x0], $0xffff;
	v11 =	vand.u32 $0x3F, v16;
	v16 =	vor.u32 v5, v10  }
.LBB2_12:
0xbd: {  	p2 =	slt.u32 s9, $0x38;
	v18 =	vadd.s32 s28, v1;
	v17 =	vand.u32 $0x3F, v17;
	v19 =	vor.u32 v5, v11  }
0xbe: {  	v20 =	vadd.s32 s9, v1;
	v18 =	vand.u32 $0x3F, v18;
	v21 =	vor.u32 v5, v17;
	v12 =	vld.idx.msk [tilespmem:v12+s14+$0x0], $0xffff  }
0xbf: {  	v22 =	vshll.u32 v6, $0x7;
	v6 =	vand.u32 $0x3F, v20;
	v20 =	vor.u32 v5, v18;
	v13 =	vld.idx.msk [tilespmem:v13+s14+$0x0], $0xffff  }
0xc0: {  	v7 =	vshll.u32 v7, $0x7;
	v22 =	vadd.s32 v3, v22;
	v23 =	vor.u32 v5, v6;
	v15 =	vld.idx.msk [tilespmem:v15+s14+$0x0], $0xffff  }
0xc1: {  	s28 =	sadd.s32 $0x7, s9;
	v8 =	vshll.u32 v8, $0x7;
	v24 =	vadd.s32 v3, v7;
	v14 =	vmul.f32 v14, v4;
	v16 =	vld.idx.msk [tilespmem:v16+s14+$0x0], $0xffff  }
0xc2: {  	v9 =	vshll.u32 v9, $0x7;
	v7 =	vadd.s32 s28, v1;
	v8 =	vadd.s32 v3, v8;
	v19 =	vld.idx.msk [tilespmem:v19+s14+$0x0], $0xffff  }
0xc3: {  	v10 =	vshll.u32 v10, $0x7;
	v9 =	vadd.s32 v3, v9;
	v7 =	vand.u32 $0x3F, v7;
	v21 =	vld.idx.msk [tilespmem:v21+s14+$0x0], $0xffff  }
0xc4: {  	v11 =	vshll.u32 v11, $0x7;
	v10 =	vadd.s32 v3, v10;
	v12 =	vmul.f32 v12, v4;
	v20 =	vld.idx.msk [tilespmem:v20+s14+$0x0], $0xffff  }
0xc5: {  	v11 =	vadd.s32 v3, v11;
	v13 =	vmul.f32 v13, v4;
	[tilespmem:v22+s24+$0x0] =	vst.idx.msk $0xffff, v14;
	v14 =	vshll.u32 v17, $0x7  }
0xc6: {  	s28 =	sadd.s32 $0x6, s9;
	v17 =	vshll.u32 v18, $0x7;
	v18 =	vadd.s32 v3, v14;
	v14 =	vmul.f32 v15, v4;
	[tilespmem:v24+s24+$0x0] =	vst.idx.msk $0xffff, v12  }
0xc7: {  	v12 =	vadd.s32 s28, v1;
	v22 =	vadd.s32 v3, v17;
	v15 =	vmul.f32 v16, v4;
	[tilespmem:v8+s24+$0x0] =	vst.idx.msk $0xffff, v13  }
.Ltmp6:
0xc8: {  	s28 =	sadd.s32 $0x5, s9;
	v8 =	vand.u32 $0x3F, v12;
	v12 =	vor.u32 v5, v7;
	v16 =	vmul.f32 v19, v4;
	[tilespmem:v9+s24+$0x0] =	vst.idx.msk $0xffff, v14;
	(pc) =	sbr.rel @p2 .LBB2_12-.Ltmp6, $4  }
0xc9: {  	s29 =	sadd.s32 $0x4, s9;
	v9 =	vadd.s32 s28, v1;
	v13 =	vor.u32 v5, v8;
	v17 =	vmul.f32 v21, v4;
	[tilespmem:v10+s24+$0x0] =	vst.idx.msk $0xffff, v15  }
0xca: {  	s28 =	sadd.s32 $0x3, s9;
	v10 =	vadd.s32 s29, v1;
	v9 =	vand.u32 $0x3F, v9;
	v19 =	vmul.f32 v20, v4;
	[tilespmem:v11+s24+$0x0] =	vst.idx.msk $0xffff, v16  }
0xcb: {  	s29 =	sadd.s32 $0x2, s9;
	v11 =	vadd.s32 s28, v1;
	v10 =	vand.u32 $0x3F, v10;
	v15 =	vor.u32 v5, v9;
	v14 =	vld.idx.msk [tilespmem:v23+s14+$0x0], $0xffff;
	[tilespmem:v18+s24+$0x0] =	vst.idx.msk $0xffff, v17  }
0xcc: {  	s28 =	sadd.s32 $0x1, s9;
	s9 =	sadd.s32 $0x8, s9;
	v17 =	vadd.s32 s29, v1;
	v11 =	vand.u32 $0x3F, v11;
	v16 =	vor.u32 v5, v10;
	[tilespmem:v22+s24+$0x0] =	vst.idx.msk $0xffff, v19  }
0xcd: {  	_ =	sdelay $0x2  }
0xce: {  	v18 =	vadd.s32 s28, v1;
	v17 =	vand.u32 $0x3F, v17;
	v19 =	vor.u32 v5, v11  }
0xcf: {  	v12 =	vld.idx.msk [tilespmem:v12+s14+$0x0], $0xffff;
	v6 =	vshll.u32 v6, $0x7;
	v18 =	vand.u32 $0x3F, v18;
	v20 =	vor.u32 v5, v17  }
0xd0: {  	v13 =	vld.idx.msk [tilespmem:v13+s14+$0x0], $0xffff;
	v7 =	vshll.u32 v7, $0x7;
	v6 =	vadd.s32 v3, v6;
	v56 =	vor.u32 v5, v18  }
0xd1: {  	v15 =	vld.idx.msk [tilespmem:v15+s14+$0x0], $0xffff;
	v8 =	vshll.u32 v8, $0x7;
	v7 =	vadd.s32 v3, v7  }
0xd2: {  	v16 =	vld.idx.msk [tilespmem:v16+s14+$0x0], $0xffff;
	v9 =	vshll.u32 v9, $0x7;
	v10 =	vshll.u32 v10, $0x7;
	v8 =	vadd.s32 v3, v8  }
0xd3: {  	v57 =	vshll.u32 v11, $0x7;
	v9 =	vadd.s32 v3, v9;
	v14 =	vmul.f32 v14, v4;
	v19 =	vld.idx.msk [tilespmem:v19+s14+$0x0], $0xffff  }
0xd4: {  	v10 =	vadd.s32 v3, v10;
	v58 =	vshll.u32 v17, $0x7;
	v12 =	vmul.f32 v12, v4;
	v20 =	vld.idx.msk [tilespmem:v20+s14+$0x0], $0xffff  }
0xd5: {  	v11 =	vadd.s32 v3, v57;
	v13 =	vmul.f32 v13, v4;
	[tilespmem:v6+s24+$0x0] =	vst.idx.msk $0xffff, v14;
	v5 =	vld.idx.msk [tilespmem:v56+s14+$0x0], $0xffff  }
0xd6: {  	s8 =	sadd.s32 $0x1, s8;
	v59 =	vshll.u32 v18, $0x7;
	v15 =	vmul.f32 v15, v4;
	v6 =	vadd.s32 v3, v58;
	[tilespmem:v7+s24+$0x0] =	vst.idx.msk $0xffff, v12  }
0xd7: {  	p2 =	sne.s32 s8, $0x8;
	v60 =	vmul.f32 v16, v4;
	v3 =	vadd.s32 v3, v59;
	[tilespmem:v8+s24+$0x0] =	vst.idx.msk $0xffff, v13  }
.Ltmp7:
0xd8: {  	[tilespmem:v9+s24+$0x0] =	vst.idx.msk $0xffff, v15;
	v61 =	vmul.f32 v19, v4;
	(pc) =	sbr.rel @p2 .LBB2_11-.Ltmp7, $4  }
0xd9: {  	[tilespmem:v10+s24+$0x0] =	vst.idx.msk $0xffff, v60;
	v62 =	vmul.f32 v20, v4  }
0xda: {  	v63 =	vmul.f32 v5, v4;
	[tilespmem:v11+s24+$0x0] =	vst.idx.msk $0xffff, v61  }
0xdb: {  	[tilespmem:v6+s24+$0x0] =	vst.idx.msk $0xffff, v62  }
0xdc: {  	[tilespmem:v3+s24+$0x0] =	vst.idx.msk $0xffff, v63  }
0xdd: {  	s4 =	sshll.u32 s4, $0x12  }
0xde: {  	s4 =	sor.u32 s5, s4  }
0xdf: {  	s4 =	sshrl.u32 s4, $0x3  }
0xe0: {  	s4 =	sadd.s32 s3, s4  }
0xe1: {  	[hbm4b:s4+s19] =	stream.strided.scatter [tilespmem:s24], [sflag:$0x7], $0x2000, s20, s19, $0x38;
	[tilespmem:$0x18800] =	vst v63  }
0xe2: {  	s4 =	sadd.s32 @!p1 $0xC00, s15  }
0xe3: {  	s4 =	sand.u32 @!p1 $0x1C00, s4  }
0xe4: {  	s7 =	simm.s32 @!p1 $0x80;
	s8 =	simm.s32 @!p1 $0x8800;
	s4 =	sshrl.u32 @!p1 s4, $0x2  }
0xe5: {  	[tilespmem:s8], [sflag:$0x3] =	stream.indirect.gather @!p1 [hbm4b:s6+s7], $0x80, s4, s7, $0xb8;
	[tilespmem:$0x18800] =	vst v63  }
0xe6: {  	_ =	swait.ge [sflag:s25], $0x4000  }
0xe7: {  	[sflag:s25] =	ssyncset.done $0x0  }
0xe8: {  	s4 =	sor.u32 $0x3, s13;
	s7 =	simm.s32 @!p0 $0x8;
	[sflag:s25] =	ssyncadd.s32 $0xFFFFC000  }
0xe9: {  	s29 =	sshll.u32 s4, $0x7;
	_ =	swait.ge @!p0 [sflag:s7], $0x2000  }
0xea: {  	s8 =	sand.u32 $0x780, s29;
	[sflag:s7] =	ssyncset.done @!p0 $0x0  }
0xeb: {  	v2 =	vmov s8;
	s8 =	simm.s32 $0x0;
	[sflag:s7] =	ssyncadd.s32 @!p0 $0xFFFFE000;
	s7 =	simm.s32 $0x0  }
.LBB2_15:
0xec: {  	_ =	sdelay $0x1  }
0xed: {  	s9 =	sshll.u32 s8, $0x4  }
0xee: {  	v6 =	vadd.s32 s7, v1;
	v3 =	vor.u32 s9, v1  }
0xef: {  	s13 =	simm.s32 $0x7;
	s15 =	simm.s32 $0x6;
	v4 =	vld.idx.msk [tilespmem:v2+s9+$0x0 ss:$0x1], $0xffff;
	v6 =	vand.u32 $0x3F, v6;
	v5 =	vshll.u32 v3, $0x7  }
0xf0: {  	s28 =	simm.s32 $0x5;
	s29 =	simm.s32 $0x3;
	v7 =	vadd.s32 s13, v1;
	v8 =	vadd.s32 s15, v1;
	v11 =	vor.u32 v5, v6  }
0xf1: {  	s13 =	simm.s32 $0x4;
	v9 =	vadd.s32 s28, v1;
	v16 =	vadd.s32 s29, v1;
	v7 =	vand.u32 $0x3F, v7  }
0xf2: {  	s15 =	simm.s32 $0x2;
	v8 =	vand.u32 $0x3F, v8;
	v10 =	vadd.s32 s13, v1;
	v12 =	vor.u32 v5, v7  }
0xf3: {  	v9 =	vand.u32 $0x3F, v9;
	v17 =	vadd.s32 s15, v1;
	v13 =	vor.u32 v5, v8  }
0xf4: {  	v10 =	vand.u32 $0x3F, v10;
	v15 =	vor.u32 v5, v9;
	vm0 =	veq.s32 v4, $0x0  }
0xf5: {  	s9 =	simm.s32 $0x8;
	s13 =	simm.s32 $0x1;
	v4 =	vsel vm0, $0x0, v0;
	v14 =	vld.idx.msk [tilespmem:v11+s16+$0x0], $0xffff;
	v11 =	vand.u32 $0x3F, v16;
	v16 =	vor.u32 v5, v10  }
.LBB2_16:
0xf6: {  	p0 =	slt.u32 s9, $0x38;
	v18 =	vadd.s32 s13, v1;
	v17 =	vand.u32 $0x3F, v17;
	v19 =	vor.u32 v5, v11  }
0xf7: {  	v20 =	vadd.s32 s9, v1;
	v18 =	vand.u32 $0x3F, v18;
	v21 =	vor.u32 v5, v17;
	v12 =	vld.idx.msk [tilespmem:v12+s16+$0x0], $0xffff  }
0xf8: {  	v22 =	vshll.u32 v6, $0x7;
	v6 =	vand.u32 $0x3F, v20;
	v20 =	vor.u32 v5, v18;
	v13 =	vld.idx.msk [tilespmem:v13+s16+$0x0], $0xffff  }
0xf9: {  	v7 =	vshll.u32 v7, $0x7;
	v22 =	vadd.s32 v3, v22;
	v23 =	vor.u32 v5, v6;
	v15 =	vld.idx.msk [tilespmem:v15+s16+$0x0], $0xffff  }
0xfa: {  	s13 =	sadd.s32 $0x7, s9;
	v8 =	vshll.u32 v8, $0x7;
	v24 =	vadd.s32 v3, v7;
	v14 =	vmul.f32 v14, v4;
	v16 =	vld.idx.msk [tilespmem:v16+s16+$0x0], $0xffff  }
0xfb: {  	v9 =	vshll.u32 v9, $0x7;
	v7 =	vadd.s32 s13, v1;
	v8 =	vadd.s32 v3, v8;
	v19 =	vld.idx.msk [tilespmem:v19+s16+$0x0], $0xffff  }
0xfc: {  	v10 =	vshll.u32 v10, $0x7;
	v9 =	vadd.s32 v3, v9;
	v7 =	vand.u32 $0x3F, v7;
	v21 =	vld.idx.msk [tilespmem:v21+s16+$0x0], $0xffff  }
0xfd: {  	v11 =	vshll.u32 v11, $0x7;
	v10 =	vadd.s32 v3, v10;
	v12 =	vmul.f32 v12, v4;
	v20 =	vld.idx.msk [tilespmem:v20+s16+$0x0], $0xffff  }
0xfe: {  	v11 =	vadd.s32 v3, v11;
	v13 =	vmul.f32 v13, v4;
	[tilespmem:v22+s26+$0x0] =	vst.idx.msk $0xffff, v14;
	v14 =	vshll.u32 v17, $0x7  }
0xff: {  	s13 =	sadd.s32 $0x6, s9;
	v17 =	vshll.u32 v18, $0x7;
	v18 =	vadd.s32 v3, v14;
	v14 =	vmul.f32 v15, v4;
	[tilespmem:v24+s26+$0x0] =	vst.idx.msk $0xffff, v12  }
0x100: {  	v12 =	vadd.s32 s13, v1;
	v22 =	vadd.s32 v3, v17;
	v15 =	vmul.f32 v16, v4;
	[tilespmem:v8+s26+$0x0] =	vst.idx.msk $0xffff, v13  }
.Ltmp8:
0x101: {  	s13 =	sadd.s32 $0x5, s9;
	v8 =	vand.u32 $0x3F, v12;
	v12 =	vor.u32 v5, v7;
	v16 =	vmul.f32 v19, v4;
	[tilespmem:v9+s26+$0x0] =	vst.idx.msk $0xffff, v14;
	(pc) =	sbr.rel @p0 .LBB2_16-.Ltmp8, $4  }
0x102: {  	s15 =	sadd.s32 $0x4, s9;
	v9 =	vadd.s32 s13, v1;
	v13 =	vor.u32 v5, v8;
	v17 =	vmul.f32 v21, v4;
	[tilespmem:v10+s26+$0x0] =	vst.idx.msk $0xffff, v15  }
0x103: {  	s13 =	sadd.s32 $0x3, s9;
	v10 =	vadd.s32 s15, v1;
	v9 =	vand.u32 $0x3F, v9;
	v19 =	vmul.f32 v20, v4;
	[tilespmem:v11+s26+$0x0] =	vst.idx.msk $0xffff, v16  }
0x104: {  	s15 =	sadd.s32 $0x2, s9;
	v11 =	vadd.s32 s13, v1;
	v10 =	vand.u32 $0x3F, v10;
	v15 =	vor.u32 v5, v9;
	v14 =	vld.idx.msk [tilespmem:v23+s16+$0x0], $0xffff;
	[tilespmem:v18+s26+$0x0] =	vst.idx.msk $0xffff, v17  }
0x105: {  	s13 =	sadd.s32 $0x1, s9;
	s9 =	sadd.s32 $0x8, s9;
	v17 =	vadd.s32 s15, v1;
	v11 =	vand.u32 $0x3F, v11;
	v16 =	vor.u32 v5, v10;
	[tilespmem:v22+s26+$0x0] =	vst.idx.msk $0xffff, v19  }
0x106: {  	_ =	sdelay $0x2  }
0x107: {  	v18 =	vadd.s32 s13, v1;
	v17 =	vand.u32 $0x3F, v17;
	v19 =	vor.u32 v5, v11  }
0x108: {  	v12 =	vld.idx.msk [tilespmem:v12+s16+$0x0], $0xffff;
	v6 =	vshll.u32 v6, $0x7;
	v18 =	vand.u32 $0x3F, v18;
	v20 =	vor.u32 v5, v17  }
0x109: {  	v13 =	vld.idx.msk [tilespmem:v13+s16+$0x0], $0xffff;
	v7 =	vshll.u32 v7, $0x7;
	v6 =	vadd.s32 v3, v6;
	v56 =	vor.u32 v5, v18  }
0x10a: {  	v15 =	vld.idx.msk [tilespmem:v15+s16+$0x0], $0xffff;
	v8 =	vshll.u32 v8, $0x7;
	v7 =	vadd.s32 v3, v7  }
0x10b: {  	v16 =	vld.idx.msk [tilespmem:v16+s16+$0x0], $0xffff;
	v9 =	vshll.u32 v9, $0x7;
	v10 =	vshll.u32 v10, $0x7;
	v8 =	vadd.s32 v3, v8  }
0x10c: {  	v57 =	vshll.u32 v11, $0x7;
	v9 =	vadd.s32 v3, v9;
	v14 =	vmul.f32 v14, v4;
	v19 =	vld.idx.msk [tilespmem:v19+s16+$0x0], $0xffff  }
0x10d: {  	v10 =	vadd.s32 v3, v10;
	v58 =	vshll.u32 v17, $0x7;
	v12 =	vmul.f32 v12, v4;
	v20 =	vld.idx.msk [tilespmem:v20+s16+$0x0], $0xffff  }
0x10e: {  	v11 =	vadd.s32 v3, v57;
	v13 =	vmul.f32 v13, v4;
	[tilespmem:v6+s26+$0x0] =	vst.idx.msk $0xffff, v14;
	v5 =	vld.idx.msk [tilespmem:v56+s16+$0x0], $0xffff  }
0x10f: {  	s8 =	sadd.s32 $0x1, s8;
	v59 =	vshll.u32 v18, $0x7;
	v15 =	vmul.f32 v15, v4;
	v6 =	vadd.s32 v3, v58;
	[tilespmem:v7+s26+$0x0] =	vst.idx.msk $0xffff, v12  }
0x110: {  	p0 =	sne.s32 s8, $0x8;
	v60 =	vmul.f32 v16, v4;
	v3 =	vadd.s32 v3, v59;
	[tilespmem:v8+s26+$0x0] =	vst.idx.msk $0xffff, v13  }
.Ltmp9:
0x111: {  	[tilespmem:v9+s26+$0x0] =	vst.idx.msk $0xffff, v15;
	v61 =	vmul.f32 v19, v4;
	(pc) =	sbr.rel @p0 .LBB2_15-.Ltmp9, $4  }
0x112: {  	[tilespmem:v10+s26+$0x0] =	vst.idx.msk $0xffff, v60;
	v62 =	vmul.f32 v20, v4  }
0x113: {  	v63 =	vmul.f32 v5, v4;
	[tilespmem:v11+s26+$0x0] =	vst.idx.msk $0xffff, v61  }
0x114: {  	[tilespmem:v6+s26+$0x0] =	vst.idx.msk $0xffff, v62  }
0x115: {  	[tilespmem:v3+s26+$0x0] =	vst.idx.msk $0xffff, v63  }
.Ltmp10:
0x116: {  	s4 =	sshll.u32 s4, $0x12;
	(pc) =	sbr.rel @p1 .LBB2_20-.Ltmp10, $4  }
0x117: {  	s4 =	sor.u32 s5, s4  }
0x118: {  	s4 =	sshrl.u32 s4, $0x3  }
0x119: {  	s4 =	sadd.s32 s3, s4  }
0x11a: {  	[hbm4b:s4+s19] =	stream.strided.scatter [tilespmem:s26], [sflag:$0x8], $0x2000, s20, s19, $0x38;
	[tilespmem:$0x18800] =	vst v63  }
.Ltmp11:
0x11b: {  	s4 =	sshll.u32 s2, $0xB;
	(pc) =	sbr.rel .LBB2_2-.Ltmp11, $4  }
0x11c: {  	s4 =	sadd.s32 $0xE00, s4  }
0x11d: {  	s4 =	sand.u32 $0x1E00, s4  }
0x11e: {  	s2 =	sadd.s32 $0x1, s2;
	s4 =	sshrl.u32 s4, $0x2  }
0x11f: {  	[tilespmem:s16], [sflag:$0x4] =	stream.indirect.gather [hbm4b:s6+s10], $0x80, s4, s10, $0xb8;
	[tilespmem:$0x18800] =	vst v63  }
.LBB2_21:
0x120: {  	_ =	sfence.sel $0x180000  }
0x121: {  	[bflag:$0x0] =	sbarrier.arrive $0xFFFF  }
0x122: {  	_ =	strace $0x90000047  }
0x123: {  	s0 =	stileid.u32;
	[bflag:$0x2] =	sbarrier.arrive $0xFFFF  }
0x124: {  	p0 =	sne.s32 s0, $0x0;
	s0 =	rddreg [dreg:$0x3]  }
0x125: {  	s0 =	sadd.s32 @!p0 $0x100000, s0  }
0x126: {  	[sflag:s0] =	ssyncadd.tile.s32 @!p0 $0x1;
	_ =	shalt  }
.Lfunc_end2:
_tile_overlayer_lowered:
.L_overlay_start_2:
0x127: {  	(tag) =	ssettag $0x2  }
0x128: {  	s0 =	rddreg [dreg:$0x0];
	s2 =	stileid.u32  }
0x129: {  	s1 =	rddreg [dreg:$0x1];
	p0 =	sne.s32 s2, $0x0  }
0x12a: {  	s3 =	rddreg [dreg:$0x2];
	[bflag:$0x3] =	sbarrier.arrive $0xFFFF;
	s2 =	simm.s32 @!p0 $0x1C09  }
0x12b: {  	[timem:s3], [sflag:s2] =	dma.local @!p0 [hbm:s0], s1  }
0x12c: {  	s0 =	simm.s32 @!p0 $0x9  }
0x12d: {  	_ =	swait.ge @!p0 [sflag:s0], s1  }
0x12e: {  	s1 =	ssub.s32 @!p0 $0x0, s1;
	[sflag:s0] =	ssyncset.done @!p0 $0x0  }
0x12f: {  	[sflag:s0] =	ssyncadd.s32 @!p0 s1  }
0x130: {  	[bflag:$0x3] =	sbarrier.arrive $0xFFFF  }
0x131: {  	_ =	shalt  }

</sc_bundles>
